<compile_context>
chip_gen: v7x
topology: tpu7x:2x2x1
jax: 0.10.2.dev20260603
libtpu: 0.0.44.dev20260713+nightly
codegen_flags: <defaults>
</compile_context>

<pallas_src>
import jax
import jax.numpy as jnp
from jax import lax
from jax.experimental import pallas as pl
from jax.experimental.pallas import tpu as pltpu
from jax.experimental.pallas import tpu_sc as plsc

N = 10000
D = 128
E = 320000

NC = 2
NS = 16
NW = NC * NS
K = 128
NCHUNK = 80
NCB = 40
NPH = NCHUNK // NCB
EPW = K * NCHUNK
EPAD = NW * EPW
NPAD = 10240
RPS = NPAD // NS
RB = 640
GRID = NPAD // RB


def _mesh():
    return plsc.VectorSubcoreMesh(
        core_axis_name="c", subcore_axis_name="s", num_cores=NC, num_subcores=NS
    )


def _sc_deg_body(dst_hbm, out_hbm, dst_v, deg_v):
    c = lax.axis_index("c")
    s = lax.axis_index("s")
    wid = s * NC + c
    pltpu.sync_copy(dst_hbm.at[wid], dst_v)
    zeros16 = jnp.zeros((16,), jnp.float32)
    ones16 = jnp.ones((16,), jnp.float32)

    def zero_body(i, _):
        deg_v[pl.ds(i * 16, 16)] = zeros16
        return 0

    lax.fori_loop(0, NPAD // 16, zero_body, 0)

    def scat_body(i, _):
        d16 = dst_v[pl.ds(i * 16, 16)]
        plsc.addupdate_scatter(deg_v, [d16], ones16)
        return 0

    lax.fori_loop(0, EPW // 16, scat_body, 0)
    pltpu.sync_copy(deg_v, out_hbm.at[wid])


def _sc_deg(dst2d):
    return pl.kernel(
        _sc_deg_body,
        out_type=jax.ShapeDtypeStruct((NW, NPAD), jnp.float32),
        mesh=_mesh(),
        scratch_types=[
            pltpu.VMEM((EPW,), jnp.int32),
            pltpu.VMEM((NPAD,), jnp.float32),
        ],
        compiler_params=pltpu.CompilerParams(needs_layout_passes=False),
    )(dst2d)


def _sc_agg_body(h_hbm, src_hbm, dst_hbm, zeros_hbm, out_hbm,
                 src_v, dst_v, buf0, buf1, acc_sh, sem0, sem1,
                 ssem0, ssem1):
    c = lax.axis_index("c")
    s = lax.axis_index("s")
    wid = s * NC + c
    bufs = (buf0, buf1)
    sems = (sem0, sem1)
    ssems = (ssem0, ssem1)

    pltpu.sync_copy(zeros_hbm, acc_sh.at[pl.ds(s * RPS, RPS)])
    plsc.subcore_barrier()

    def phase(p, _):
        pltpu.sync_copy(src_hbm.at[wid, pl.ds(p * NCB, NCB)], src_v)
        pltpu.sync_copy(dst_hbm.at[wid, pl.ds(p * NCB, NCB)], dst_v)
        pltpu.async_copy(h_hbm.at[src_v.at[0]], buf0, sem0)

        def body(i, _):
            for b in range(2):
                cur = 2 * i + b
                nxt = cur + 1

                @pl.when(cur >= 1)
                def _():
                    pltpu.make_async_copy(bufs[1 - b],
                                          acc_sh.at[dst_v.at[cur - 1]],
                                          ssems[1 - b]).wait()

                @pl.when(nxt < NCB)
                def _():
                    pltpu.async_copy(h_hbm.at[src_v.at[nxt]], bufs[1 - b],
                                     sems[1 - b])

                pltpu.make_async_copy(h_hbm.at[src_v.at[cur]], bufs[b],
                                      sems[b]).wait()
                pltpu.async_copy(bufs[b], acc_sh.at[dst_v.at[cur]],
                                 ssems[b], add=True)
            return 0

        lax.fori_loop(0, NCB // 2, body, 0)
        pltpu.make_async_copy(bufs[1], acc_sh.at[dst_v.at[NCB - 1]],
                              ssems[1]).wait()
        return 0

    lax.fori_loop(0, NPH, phase, 0)
    plsc.subcore_barrier()
    pltpu.sync_copy(acc_sh.at[pl.ds(s * RPS, RPS)],
                    out_hbm.at[c, pl.ds(s * RPS, RPS)])


def _sc_agg(h, src3, dst3, zeros_blk):
    return pl.kernel(
        _sc_agg_body,
        out_type=jax.ShapeDtypeStruct((NC, NPAD, D), jnp.float32),
        mesh=_mesh(),
        scratch_types=[
            pltpu.VMEM((NCB, K), jnp.int32),
            pltpu.VMEM((NCB, K), jnp.int32),
            pltpu.VMEM((K, D), jnp.float32),
            pltpu.VMEM((K, D), jnp.float32),
            pltpu.VMEM_SHARED((NPAD, D), jnp.float32),
            pltpu.SemaphoreType.DMA,
            pltpu.SemaphoreType.DMA,
            pltpu.SemaphoreType.DMA,
            pltpu.SemaphoreType.DMA,
        ],
    )(h, src3, dst3, zeros_blk)


def _tc_prep_body(x_ref, w_ref, degp_ref, dinv_ref, h_ref):
    deg = jnp.sum(degp_ref[...], axis=0) + 1.0
    dinv = lax.rsqrt(deg)
    dinv_ref[...] = dinv[:, None]
    h = jnp.dot(x_ref[...], w_ref[...], preferred_element_type=jnp.float32)
    h_ref[...] = dinv[:, None] * h


def _tc_prep(x_p, w1, deg_parts):
    return pl.pallas_call(
        _tc_prep_body,
        grid=(GRID,),
        in_specs=[
            pl.BlockSpec((RB, D), lambda i: (i, 0)),
            pl.BlockSpec((D, D), lambda i: (0, 0)),
            pl.BlockSpec((NW, RB), lambda i: (0, i)),
        ],
        out_specs=[
            pl.BlockSpec((RB, 1), lambda i: (i, 0)),
            pl.BlockSpec((RB, D), lambda i: (i, 0)),
        ],
        out_shape=[
            jax.ShapeDtypeStruct((NPAD, 1), jnp.float32),
            jax.ShapeDtypeStruct((NPAD, D), jnp.float32),
        ],
    )(x_p, w1, deg_parts)


def _tc_mid_body(p_ref, hprev_ref, dinv_ref, b_ref, w_ref, hn_ref):
    dinv = dinv_ref[...]
    o = dinv * (p_ref[0] + p_ref[1] + hprev_ref[...]) + b_ref[...]
    xn = jnp.maximum(o, 0.0)
    hn = jnp.dot(xn, w_ref[...], preferred_element_type=jnp.float32)
    hn_ref[...] = dinv * hn


def _tc_mid(p, hprev, dinv, b2d, w_next):
    return pl.pallas_call(
        _tc_mid_body,
        grid=(GRID,),
        in_specs=[
            pl.BlockSpec((NC, RB, D), lambda i: (0, i, 0)),
            pl.BlockSpec((RB, D), lambda i: (i, 0)),
            pl.BlockSpec((RB, 1), lambda i: (i, 0)),
            pl.BlockSpec((1, D), lambda i: (0, 0)),
            pl.BlockSpec((D, D), lambda i: (0, 0)),
        ],
        out_specs=pl.BlockSpec((RB, D), lambda i: (i, 0)),
        out_shape=jax.ShapeDtypeStruct((NPAD, D), jnp.float32),
    )(p, hprev, dinv, b2d, w_next)


def _tc_final_body(p_ref, hprev_ref, dinv_ref, b_ref, out_ref):
    out_ref[...] = (dinv_ref[...] * (p_ref[0] + p_ref[1] + hprev_ref[...])
                    + b_ref[...])


def _tc_final(p, hprev, dinv, b2d):
    return pl.pallas_call(
        _tc_final_body,
        grid=(GRID,),
        in_specs=[
            pl.BlockSpec((NC, RB, D), lambda i: (0, i, 0)),
            pl.BlockSpec((RB, D), lambda i: (i, 0)),
            pl.BlockSpec((RB, 1), lambda i: (i, 0)),
            pl.BlockSpec((1, D), lambda i: (0, 0)),
        ],
        out_specs=pl.BlockSpec((RB, D), lambda i: (i, 0)),
        out_shape=jax.ShapeDtypeStruct((NPAD, D), jnp.float32),
    )(p, hprev, dinv, b2d)


def kernel(x, edge_index, W1, b1, W2, b2, W3, b3):
    src = edge_index[0].astype(jnp.int32)
    dst = edge_index[1].astype(jnp.int32)
    pad = jnp.full((EPAD - E,), N, dtype=jnp.int32)
    src3 = jnp.concatenate([src, pad]).reshape(NW, NCHUNK, K)
    dst3 = jnp.concatenate([dst, pad]).reshape(NW, NCHUNK, K)
    dst2d = dst3.reshape(NW, EPW)
    x_p = jnp.concatenate([x, jnp.zeros((NPAD - N, D), jnp.float32)], axis=0)
    zeros_blk = jnp.zeros((RPS, D), jnp.float32)

    deg_parts = _sc_deg(dst2d)
    dinv, h1 = _tc_prep(x_p, W1, deg_parts)
    b1_2, b2_2, b3_2 = b1[None, :], b2[None, :], b3[None, :]

    p1 = _sc_agg(h1, src3, dst3, zeros_blk)
    h2 = _tc_mid(p1, h1, dinv, b1_2, W2)
    p2 = _sc_agg(h2, src3, dst3, zeros_blk)
    h3 = _tc_mid(p2, h2, dinv, b2_2, W3)
    p3 = _sc_agg(h3, src3, dst3, zeros_blk)
    out = _tc_final(p3, h3, dinv, b3_2)
    return out[:N]

# --- scband reference (transcript-rebuilt; emitter-appended) ---
"""Pipeline reference for scband-standard-gnnmodel-4380866642060 (READ-ONLY COPY).

The authoritative reference and input builder live on the scoring server;
editing this copy changes nothing except your own understanding.
"""

import jax, jax.numpy as jnp
import numpy as np

N_NODES = 10000
N_EDGES = 320000
D_IN = 128
D_HID = 128
D_OUT = 128


def setup_inputs(seed: int = 0) -> dict:
    key = jax.random.key(seed)
    ks = jax.random.split(key, 8)
    x = jax.random.normal(ks[0], (N_NODES, D_IN), dtype=jnp.float32)
    edge_index = jax.random.randint(ks[1], (2, N_EDGES), 0, N_NODES, dtype=jnp.int64)
    W1 = jax.random.normal(ks[2], (D_IN, D_HID), dtype=jnp.float32) * (1.0 / np.sqrt(D_IN))
    b1 = jnp.zeros((D_HID,), dtype=jnp.float32)
    W2 = jax.random.normal(ks[3], (D_HID, D_HID), dtype=jnp.float32) * (1.0 / np.sqrt(D_HID))
    b2 = jnp.zeros((D_HID,), dtype=jnp.float32)
    W3 = jax.random.normal(ks[4], (D_HID, D_OUT), dtype=jnp.float32) * (1.0 / np.sqrt(D_HID))
    b3 = jnp.zeros((D_OUT,), dtype=jnp.float32)
    return {"x": x, "edge_index": edge_index, "W1": W1, "b1": b1, "W2": W2, "b2": b2, "W3": W3, "b3": b3}


def _gcn_conv(x, src, dst, norm, W, b, n_nodes):
    # GCNConv: x' = D^{-1/2}(A+I)D^{-1/2} X W + b
    h = x @ W
    msg = jnp.take(h, src, axis=0) * norm[:, None]
    out = jax.ops.segment_sum(msg, dst, num_segments=n_nodes)
    return out + b


def reference(x, edge_index, W1, b1, W2, b2, W3, b3):
    n = x.shape[0]
    loop = jnp.arange(n, dtype=edge_index.dtype)
    src = jnp.concatenate([edge_index[0], loop])
    dst = jnp.concatenate([edge_index[1], loop])
    deg = jnp.zeros((n,), dtype=jnp.float32).at[dst].add(1.0)
    dinv = jnp.where(deg > 0, jax.lax.rsqrt(deg), 0.0)
    norm = jnp.take(dinv, src) * jnp.take(dinv, dst)
    h = _gcn_conv(x, src, dst, norm, W1, b1, n)
    h = jax.nn.relu(h)  # dropout is identity in eval mode
    h = _gcn_conv(h, src, dst, norm, W2, b2, n)
    h = jax.nn.relu(h)
    out = _gcn_conv(h, src, dst, norm, W3, b3, n)
    return out

if __name__ == "__main__":
    import jax
    _d = setup_inputs()
    print(jax.jit(kernel)(*tuple(_d.values())))

</pallas_src>

<mosaic_0001>
#map = affine_map<(d0, d1) -> (0, 0)>
module attributes {stable_mosaic.version = 14 : i64} {
  func.func @_sc_deg_body(%arg0: i32, %arg1: i32, %arg2: memref<32x10240xi32, #tpu.memory_space<hbm>>, %arg3: memref<32x10240xf32, #tpu.memory_space<hbm>>, %arg4: memref<10240xi32, #tpu.memory_space<vmem>>, %arg5: memref<10240xf32, #tpu.memory_space<vmem>>) attributes {dimension_semantics = [#tpu.dimension_semantics<core_parallel>, #tpu.dimension_semantics<subcore_parallel>], iteration_bounds = array<i64: 2, 16>, scalar_prefetch = 0 : i64, scratch_operands = 2 : i64, tpu.core_type = #tpu.core_type<sc_vector_subcore>, window_params = [{transform_indices = #map}, {transform_indices = #map}]} {
    %mul3A = arith.constant 2 : i32
    %mul3A_0 = arith.muli %arg1, %mul3A : i32
    %add3A = arith.addi %mul3A_0, %arg0 : i32
    "tpu.region"() ({
      %run_scoped3A = tpu.sem_alloc : memref<!tpu.dma_semaphore, #tpu.memory_space<semaphore_mem>>
      %dma_start3A = arith.constant 0 : i32
      %dma_start3A_17 = tpu.memref_slice %arg2[%add3A, %dma_start3A] : memref<32x10240xi32, #tpu.memory_space<hbm>> -> memref<1x10240xi32, #tpu.memory_space<hbm>>
      %dma_start3A_18 = tpu.memref_squeeze %dma_start3A_17 : memref<1x10240xi32, #tpu.memory_space<hbm>> -> memref<10240xi32, #tpu.memory_space<hbm>>
      %dma_start3A_19 = arith.constant 0 : i32
      %dma_start3A_20 = tpu.memref_slice %arg2[%add3A, %dma_start3A_19] : memref<32x10240xi32, #tpu.memory_space<hbm>> -> memref<1x10240xi32, #tpu.memory_space<hbm>>
      %dma_start3A_21 = tpu.memref_squeeze %dma_start3A_20 : memref<1x10240xi32, #tpu.memory_space<hbm>> -> memref<10240xi32, #tpu.memory_space<hbm>>
      tpu.enqueue_dma source(%dma_start3A_21 : memref<10240xi32, #tpu.memory_space<hbm>>) target(%arg4 : memref<10240xi32, #tpu.memory_space<vmem>>) target_semaphore(%run_scoped3A : memref<!tpu.dma_semaphore, #tpu.memory_space<semaphore_mem>>)
      %dma_wait3A = arith.constant 0 : i32
      %dma_wait3A_22 = tpu.memref_slice %arg2[%add3A, %dma_wait3A] : memref<32x10240xi32, #tpu.memory_space<hbm>> -> memref<1x10240xi32, #tpu.memory_space<hbm>>
      %dma_wait3A_23 = tpu.memref_squeeze %dma_wait3A_22 : memref<1x10240xi32, #tpu.memory_space<hbm>> -> memref<10240xi32, #tpu.memory_space<hbm>>
      %dma_wait3A_24 = arith.constant 0 : i32
      %dma_wait3A_25 = tpu.memref_slice %arg2[%add3A, %dma_wait3A_24] : memref<32x10240xi32, #tpu.memory_space<hbm>> -> memref<1x10240xi32, #tpu.memory_space<hbm>>
      %dma_wait3A_26 = tpu.memref_squeeze %dma_wait3A_25 : memref<1x10240xi32, #tpu.memory_space<hbm>> -> memref<10240xi32, #tpu.memory_space<hbm>>
      tpu.wait_dma2 semaphore(%run_scoped3A : memref<!tpu.dma_semaphore, #tpu.memory_space<semaphore_mem>>) src(%dma_wait3A_26 : memref<10240xi32, #tpu.memory_space<hbm>>) dst(%arg4 : memref<10240xi32, #tpu.memory_space<vmem>>)
      tpu.yield
    }) : () -> ()
    %broadcast_in_dim3A = arith.constant 0.000000e+00 : f32
    %broadcast_in_dim3A_1 = vector.broadcast %broadcast_in_dim3A : f32 to vector<16xf32>
    %broadcast_in_dim3A_2 = arith.constant 1.000000e+00 : f32
    %broadcast_in_dim3A_3 = vector.broadcast %broadcast_in_dim3A_2 : f32 to vector<16xf32>
    %scan3A = arith.constant 0 : i32
    %scan3A_4 = arith.constant 0 : i32
    %scan3A_5 = arith.constant 640 : i32
    %scan3A_6 = arith.addi %scan3A_4, %scan3A_5 : i32
    %scan3A_7 = arith.constant 1 : i32
    %scan3A_8 = scf.for %scan3A_17 = %scan3A_4 to %scan3A_6 step %scan3A_7 iter_args(%scan3A_18 = %scan3A) -> (i32)  : i32 {
      %mul3A_19 = arith.constant 16 : i32
      %mul3A_20 = arith.muli %scan3A_17, %mul3A_19 : i32
      %swap3A = arith.index_cast %mul3A_20 : i32 to index
      %swap3A_21 = tpu.vector_load %arg5[%swap3A] {strides = array<i32>} : memref<10240xf32, #tpu.memory_space<vmem>>, vector<16xf32>,
      tpu.vector_store %arg5[%swap3A], %broadcast_in_dim3A_1 {strides = array<i32>} : memref<10240xf32, #tpu.memory_space<vmem>>, vector<16xf32>,
      %scan3A_22 = arith.constant 0 : i32
      scf.yield %scan3A_22 : i32
    }
    %scan3A_9 = arith.constant 640 : i32
    %scan3A_10 = arith.constant 0 : i32
    %scan3A_11 = arith.constant 0 : i32
    %scan3A_12 = arith.constant 640 : i32
    %scan3A_13 = arith.addi %scan3A_11, %scan3A_12 : i32
    %scan3A_14 = arith.constant 1 : i32
    %scan3A_15 = scf.for %scan3A_17 = %scan3A_11 to %scan3A_13 step %scan3A_14 iter_args(%scan3A_18 = %scan3A_10) -> (i32)  : i32 {
      %mul3A_19 = arith.constant 16 : i32
      %mul3A_20 = arith.muli %scan3A_17, %mul3A_19 : i32
      %get3A = arith.index_cast %mul3A_20 : i32 to index
      %get3A_21 = tpu.vector_load %arg4[%get3A] {strides = array<i32>} : memref<10240xi32, #tpu.memory_space<vmem>>, vector<16xi32>,
      tpu.vector_store_idx %arg5[%get3A_21], %broadcast_in_dim3A_3 {add = true} : memref<10240xf32, #tpu.memory_space<vmem>>[vector<16xi32>], vector<16xf32>,
      %scan3A_22 = arith.constant 0 : i32
      scf.yield %scan3A_22 : i32
    }
    %scan3A_16 = arith.constant 640 : i32
    "tpu.region"() ({
      %run_scoped3A = tpu.sem_alloc : memref<!tpu.dma_semaphore, #tpu.memory_space<semaphore_mem>>
      %dma_start3A = arith.constant 0 : i32
      %dma_start3A_17 = tpu.memref_slice %arg3[%add3A, %dma_start3A] : memref<32x10240xf32, #tpu.memory_space<hbm>> -> memref<1x10240xf32, #tpu.memory_space<hbm>>
      %dma_start3A_18 = tpu.memref_squeeze %dma_start3A_17 : memref<1x10240xf32, #tpu.memory_space<hbm>> -> memref<10240xf32, #tpu.memory_space<hbm>>
      %dma_start3A_19 = arith.constant 0 : i32
      %dma_start3A_20 = tpu.memref_slice %arg3[%add3A, %dma_start3A_19] : memref<32x10240xf32, #tpu.memory_space<hbm>> -> memref<1x10240xf32, #tpu.memory_space<hbm>>
      %dma_start3A_21 = tpu.memref_squeeze %dma_start3A_20 : memref<1x10240xf32, #tpu.memory_space<hbm>> -> memref<10240xf32, #tpu.memory_space<hbm>>
      tpu.enqueue_dma source(%arg5 : memref<10240xf32, #tpu.memory_space<vmem>>) target(%dma_start3A_21 : memref<10240xf32, #tpu.memory_space<hbm>>) target_semaphore(%run_scoped3A : memref<!tpu.dma_semaphore, #tpu.memory_space<semaphore_mem>>)
      %dma_wait3A = arith.constant 0 : i32
      %dma_wait3A_22 = tpu.memref_slice %arg3[%add3A, %dma_wait3A] : memref<32x10240xf32, #tpu.memory_space<hbm>> -> memref<1x10240xf32, #tpu.memory_space<hbm>>
      %dma_wait3A_23 = tpu.memref_squeeze %dma_wait3A_22 : memref<1x10240xf32, #tpu.memory_space<hbm>> -> memref<10240xf32, #tpu.memory_space<hbm>>
      %dma_wait3A_24 = arith.constant 0 : i32
      %dma_wait3A_25 = tpu.memref_slice %arg3[%add3A, %dma_wait3A_24] : memref<32x10240xf32, #tpu.memory_space<hbm>> -> memref<1x10240xf32, #tpu.memory_space<hbm>>
      %dma_wait3A_26 = tpu.memref_squeeze %dma_wait3A_25 : memref<1x10240xf32, #tpu.memory_space<hbm>> -> memref<10240xf32, #tpu.memory_space<hbm>>
      tpu.wait_dma2 semaphore(%run_scoped3A : memref<!tpu.dma_semaphore, #tpu.memory_space<semaphore_mem>>) src(%arg5 : memref<10240xf32, #tpu.memory_space<vmem>>) dst(%dma_wait3A_26 : memref<10240xf32, #tpu.memory_space<hbm>>)
      tpu.yield
    }) : () -> ()
    return
  }
}

#map = affine_map<(d0, d1) -> (0, 0)>
#map1 = affine_map<(d0, d1) -> (0, 0, 0)>
module attributes {stable_mosaic.version = 14 : i64} {
  func.func @_sc_agg_body(%arg0: i32, %arg1: i32, %arg2: memref<10240x128xf32, #tpu.memory_space<hbm>>, %arg3: memref<32x80x128xi32, #tpu.memory_space<hbm>>, %arg4: memref<32x80x128xi32, #tpu.memory_space<hbm>>, %arg5: memref<640x128xf32, #tpu.memory_space<hbm>>, %arg6: memref<2x10240x128xf32, #tpu.memory_space<hbm>>, %arg7: memref<40x128xi32, #tpu.memory_space<vmem>>, %arg8: memref<40x128xi32, #tpu.memory_space<vmem>>, %arg9: memref<128x128xf32, #tpu.memory_space<vmem>>, %arg10: memref<128x128xf32, #tpu.memory_space<vmem>>, %arg11: memref<10240x128xf32, #tpu.memory_space<vmem_shared>>, %arg12: memref<!tpu.dma_semaphore, #tpu.memory_space<semaphore_mem>>, %arg13: memref<!tpu.dma_semaphore, #tpu.memory_space<semaphore_mem>>, %arg14: memref<!tpu.dma_semaphore, #tpu.memory_space<semaphore_mem>>, %arg15: memref<!tpu.dma_semaphore, #tpu.memory_space<semaphore_mem>>) attributes {dimension_semantics = [#tpu.dimension_semantics<core_parallel>, #tpu.dimension_semantics<subcore_parallel>], iteration_bounds = array<i64: 2, 16>, scalar_prefetch = 0 : i64, scratch_operands = 9 : i64, tpu.core_type = #tpu.core_type<sc_vector_subcore>, window_params = [{transform_indices = #map}, {transform_indices = #map1}, {transform_indices = #map1}, {transform_indices = #map}, {transform_indices = #map1}]} {
    %mul3A = arith.constant 2 : i32
    %mul3A_0 = arith.muli %arg1, %mul3A : i32
    %add3A = arith.addi %mul3A_0, %arg0 : i32
    %mul3A_1 = arith.constant 640 : i32
    %mul3A_2 = arith.muli %arg1, %mul3A_1 : i32
    "tpu.region"() ({
      %run_scoped3A = tpu.sem_alloc : memref<!tpu.dma_semaphore, #tpu.memory_space<semaphore_mem>>
      %dma_start3A = arith.constant 0 : i32
      %dma_start3A_14 = tpu.memref_slice %arg11[%mul3A_2, %dma_start3A] : memref<10240x128xf32, #tpu.memory_space<vmem_shared>> -> memref<640x128xf32, #tpu.memory_space<vmem_shared>>
      tpu.enqueue_dma source(%arg5 : memref<640x128xf32, #tpu.memory_space<hbm>>) target(%dma_start3A_14 : memref<640x128xf32, #tpu.memory_space<vmem_shared>>) target_semaphore(%run_scoped3A : memref<!tpu.dma_semaphore, #tpu.memory_space<semaphore_mem>>)
      %dma_wait3A = arith.constant 0 : i32
      %dma_wait3A_15 = tpu.memref_slice %arg11[%mul3A_2, %dma_wait3A] : memref<10240x128xf32, #tpu.memory_space<vmem_shared>> -> memref<640x128xf32, #tpu.memory_space<vmem_shared>>
      tpu.wait_dma2 semaphore(%run_scoped3A : memref<!tpu.dma_semaphore, #tpu.memory_space<semaphore_mem>>) src(%arg5 : memref<640x128xf32, #tpu.memory_space<hbm>>) dst(%dma_wait3A_15 : memref<640x128xf32, #tpu.memory_space<vmem_shared>>)
      tpu.yield
    }) : () -> ()
    %barrier3A = arith.constant 0 : index
    tpu.barrier barrier_id(%barrier3A)
    %scan3A = arith.constant 0 : i32
    %scan3A_3 = arith.constant 0 : i32
    %scan3A_4 = arith.constant 2 : i32
    %scan3A_5 = arith.addi %scan3A_3, %scan3A_4 : i32
    %scan3A_6 = arith.constant 1 : i32
    %scan3A_7 = scf.for %scan3A_14 = %scan3A_3 to %scan3A_5 step %scan3A_6 iter_args(%scan3A_15 = %scan3A) -> (i32)  : i32 {
      %mul3A_16 = arith.constant 40 : i32
      %mul3A_17 = arith.muli %scan3A_14, %mul3A_16 : i32
      "tpu.region"() ({
        %run_scoped3A = tpu.sem_alloc : memref<!tpu.dma_semaphore, #tpu.memory_space<semaphore_mem>>
        %dma_start3A_40 = arith.constant 0 : i32
        %dma_start3A_41 = tpu.memref_slice %arg3[%add3A, %mul3A_17, %dma_start3A_40] : memref<32x80x128xi32, #tpu.memory_space<hbm>> -> memref<1x40x128xi32, #tpu.memory_space<hbm>>
        %dma_start3A_42 = tpu.memref_squeeze %dma_start3A_41 : memref<1x40x128xi32, #tpu.memory_space<hbm>> -> memref<40x128xi32, #tpu.memory_space<hbm>>
        %dma_start3A_43 = arith.constant 0 : i32
        %dma_start3A_44 = tpu.memref_slice %arg3[%add3A, %mul3A_17, %dma_start3A_43] : memref<32x80x128xi32, #tpu.memory_space<hbm>> -> memref<1x40x128xi32, #tpu.memory_space<hbm>>
        %dma_start3A_45 = tpu.memref_squeeze %dma_start3A_44 : memref<1x40x128xi32, #tpu.memory_space<hbm>> -> memref<40x128xi32, #tpu.memory_space<hbm>>
        tpu.enqueue_dma source(%dma_start3A_45 : memref<40x128xi32, #tpu.memory_space<hbm>>) target(%arg7 : memref<40x128xi32, #tpu.memory_space<vmem>>) target_semaphore(%run_scoped3A : memref<!tpu.dma_semaphore, #tpu.memory_space<semaphore_mem>>)
        %dma_wait3A_46 = arith.constant 0 : i32
        %dma_wait3A_47 = tpu.memref_slice %arg3[%add3A, %mul3A_17, %dma_wait3A_46] : memref<32x80x128xi32, #tpu.memory_space<hbm>> -> memref<1x40x128xi32, #tpu.memory_space<hbm>>
        %dma_wait3A_48 = tpu.memref_squeeze %dma_wait3A_47 : memref<1x40x128xi32, #tpu.memory_space<hbm>> -> memref<40x128xi32, #tpu.memory_space<hbm>>
        %dma_wait3A_49 = arith.constant 0 : i32
        %dma_wait3A_50 = tpu.memref_slice %arg3[%add3A, %mul3A_17, %dma_wait3A_49] : memref<32x80x128xi32, #tpu.memory_space<hbm>> -> memref<1x40x128xi32, #tpu.memory_space<hbm>>
        %dma_wait3A_51 = tpu.memref_squeeze %dma_wait3A_50 : memref<1x40x128xi32, #tpu.memory_space<hbm>> -> memref<40x128xi32, #tpu.memory_space<hbm>>
        tpu.wait_dma2 semaphore(%run_scoped3A : memref<!tpu.dma_semaphore, #tpu.memory_space<semaphore_mem>>) src(%dma_wait3A_51 : memref<40x128xi32, #tpu.memory_space<hbm>>) dst(%arg7 : memref<40x128xi32, #tpu.memory_space<vmem>>)
        tpu.yield
      }) : () -> ()
      %mul3A_18 = arith.constant 40 : i32
      %mul3A_19 = arith.muli %scan3A_14, %mul3A_18 : i32
      "tpu.region"() ({
        %run_scoped3A = tpu.sem_alloc : memref<!tpu.dma_semaphore, #tpu.memory_space<semaphore_mem>>
        %dma_start3A_40 = arith.constant 0 : i32
        %dma_start3A_41 = tpu.memref_slice %arg4[%add3A, %mul3A_19, %dma_start3A_40] : memref<32x80x128xi32, #tpu.memory_space<hbm>> -> memref<1x40x128xi32, #tpu.memory_space<hbm>>
        %dma_start3A_42 = tpu.memref_squeeze %dma_start3A_41 : memref<1x40x128xi32, #tpu.memory_space<hbm>> -> memref<40x128xi32, #tpu.memory_space<hbm>>
        %dma_start3A_43 = arith.constant 0 : i32
        %dma_start3A_44 = tpu.memref_slice %arg4[%add3A, %mul3A_19, %dma_start3A_43] : memref<32x80x128xi32, #tpu.memory_space<hbm>> -> memref<1x40x128xi32, #tpu.memory_space<hbm>>
        %dma_start3A_45 = tpu.memref_squeeze %dma_start3A_44 : memref<1x40x128xi32, #tpu.memory_space<hbm>> -> memref<40x128xi32, #tpu.memory_space<hbm>>
        tpu.enqueue_dma source(%dma_start3A_45 : memref<40x128xi32, #tpu.memory_space<hbm>>) target(%arg8 : memref<40x128xi32, #tpu.memory_space<vmem>>) target_semaphore(%run_scoped3A : memref<!tpu.dma_semaphore, #tpu.memory_space<semaphore_mem>>)
        %dma_wait3A_46 = arith.constant 0 : i32
        %dma_wait3A_47 = tpu.memref_slice %arg4[%add3A, %mul3A_19, %dma_wait3A_46] : memref<32x80x128xi32, #tpu.memory_space<hbm>> -> memref<1x40x128xi32, #tpu.memory_space<hbm>>
        %dma_wait3A_48 = tpu.memref_squeeze %dma_wait3A_47 : memref<1x40x128xi32, #tpu.memory_space<hbm>> -> memref<40x128xi32, #tpu.memory_space<hbm>>
        %dma_wait3A_49 = arith.constant 0 : i32
        %dma_wait3A_50 = tpu.memref_slice %arg4[%add3A, %mul3A_19, %dma_wait3A_49] : memref<32x80x128xi32, #tpu.memory_space<hbm>> -> memref<1x40x128xi32, #tpu.memory_space<hbm>>
        %dma_wait3A_51 = tpu.memref_squeeze %dma_wait3A_50 : memref<1x40x128xi32, #tpu.memory_space<hbm>> -> memref<40x128xi32, #tpu.memory_space<hbm>>
        tpu.wait_dma2 semaphore(%run_scoped3A : memref<!tpu.dma_semaphore, #tpu.memory_space<semaphore_mem>>) src(%dma_wait3A_51 : memref<40x128xi32, #tpu.memory_space<hbm>>) dst(%arg8 : memref<40x128xi32, #tpu.memory_space<vmem>>)
        tpu.yield
      }) : () -> ()
      %dma_start3A = arith.constant 0 : i32
      %dma_start3A_20 = arith.constant 0 : i32
      %dma_start3A_21 = tpu.memref_slice %arg7[%dma_start3A, %dma_start3A_20] : memref<40x128xi32, #tpu.memory_space<vmem>> -> memref<1x128xi32, #tpu.memory_space<vmem>>
      %dma_start3A_22 = tpu.memref_squeeze %dma_start3A_21 : memref<1x128xi32, #tpu.memory_space<vmem>> -> memref<128xi32, #tpu.memory_space<vmem>>
      %dma_start3A_23 = arith.constant 0 : i32
      %dma_start3A_24 = arith.constant 0 : i32
      %dma_start3A_25 = tpu.memref_slice %arg2[%dma_start3A_23, %dma_start3A_24] : memref<10240x128xf32, #tpu.memory_space<hbm>> -> memref<10240x128xf32, #tpu.memory_space<hbm>>
      tpu.enqueue_indirect_dma source(%dma_start3A_25 : memref<10240x128xf32, #tpu.memory_space<hbm>>) target(%arg9 : memref<128x128xf32, #tpu.memory_space<vmem>>) offsets(%dma_start3A_22 : memref<128xi32, #tpu.memory_space<vmem>>) semaphore(%arg12 : memref<!tpu.dma_semaphore, #tpu.memory_space<semaphore_mem>>)
      %scan3A_26 = arith.constant 0 : i32
      %scan3A_27 = arith.constant 0 : i32
      %scan3A_28 = arith.constant 20 : i32
      %scan3A_29 = arith.addi %scan3A_27, %scan3A_28 : i32
      %scan3A_30 = arith.constant 1 : i32
      %scan3A_31 = scf.for %scan3A_40 = %scan3A_27 to %scan3A_29 step %scan3A_30 iter_args(%scan3A_41 = %scan3A_26) -> (i32)  : i32 {
        %mul3A_42 = arith.constant 2 : i32
        %mul3A_43 = arith.muli %mul3A_42, %scan3A_40 : i32
        %add3A_44 = arith.constant 0 : i32
        %add3A_45 = arith.addi %mul3A_43, %add3A_44 : i32
        %add3A_46 = arith.constant 1 : i32
        %add3A_47 = arith.addi %add3A_45, %add3A_46 : i32
        %ge3A = arith.constant 1 : i32
        %ge3A_48 = arith.cmpi sge, %add3A_45, %ge3A : i32
        %convert_element_type3A = arith.extui %ge3A_48 : i1 to i32
        %cond3A = arith.constant 0 : i32
        %cond3A_49 = arith.cmpi ne, %convert_element_type3A, %cond3A : i32
        scf.if %cond3A_49 {
          %sub3A = arith.constant 1 : i32
          %sub3A_95 = arith.subi %add3A_45, %sub3A : i32
          %dma_wait3A_96 = arith.constant 0 : i32
          %dma_wait3A_97 = tpu.memref_slice %arg8[%sub3A_95, %dma_wait3A_96] : memref<40x128xi32, #tpu.memory_space<vmem>> -> memref<1x128xi32, #tpu.memory_space<vmem>>
          %dma_wait3A_98 = tpu.memref_squeeze %dma_wait3A_97 : memref<1x128xi32, #tpu.memory_space<vmem>> -> memref<128xi32, #tpu.memory_space<vmem>>
          %dma_wait3A_99 = arith.constant 0 : i32
          %dma_wait3A_100 = arith.constant 0 : i32
          %dma_wait3A_101 = tpu.memref_slice %arg11[%dma_wait3A_99, %dma_wait3A_100] : memref<10240x128xf32, #tpu.memory_space<vmem_shared>> -> memref<10240x128xf32, #tpu.memory_space<vmem_shared>>
          tpu.wait_indirect_dma semaphore(%arg15 : memref<!tpu.dma_semaphore, #tpu.memory_space<semaphore_mem>>) src(%arg10 : memref<128x128xf32, #tpu.memory_space<vmem>>) dst(%dma_wait3A_101 : memref<10240x128xf32, #tpu.memory_space<vmem_shared>>)
        } else {
        }
        %lt3A = arith.constant 40 : i32
        %lt3A_50 = arith.cmpi slt, %add3A_47, %lt3A : i32
        %convert_element_type3A_51 = arith.extui %lt3A_50 : i1 to i32
        %cond3A_52 = arith.constant 0 : i32
        %cond3A_53 = arith.cmpi ne, %convert_element_type3A_51, %cond3A_52 : i32
        scf.if %cond3A_53 {
          %dma_start3A_95 = arith.constant 0 : i32
          %dma_start3A_96 = tpu.memref_slice %arg7[%add3A_47, %dma_start3A_95] : memref<40x128xi32, #tpu.memory_space<vmem>> -> memref<1x128xi32, #tpu.memory_space<vmem>>
          %dma_start3A_97 = tpu.memref_squeeze %dma_start3A_96 : memref<1x128xi32, #tpu.memory_space<vmem>> -> memref<128xi32, #tpu.memory_space<vmem>>
          %dma_start3A_98 = arith.constant 0 : i32
          %dma_start3A_99 = arith.constant 0 : i32
          %dma_start3A_100 = tpu.memref_slice %arg2[%dma_start3A_98, %dma_start3A_99] : memref<10240x128xf32, #tpu.memory_space<hbm>> -> memref<10240x128xf32, #tpu.memory_space<hbm>>
          tpu.enqueue_indirect_dma source(%dma_start3A_100 : memref<10240x128xf32, #tpu.memory_space<hbm>>) target(%arg10 : memref<128x128xf32, #tpu.memory_space<vmem>>) offsets(%dma_start3A_97 : memref<128xi32, #tpu.memory_space<vmem>>) semaphore(%arg13 : memref<!tpu.dma_semaphore, #tpu.memory_space<semaphore_mem>>)
        } else {
        }
        %dma_wait3A_54 = arith.constant 0 : i32
        %dma_wait3A_55 = tpu.memref_slice %arg7[%add3A_45, %dma_wait3A_54] : memref<40x128xi32, #tpu.memory_space<vmem>> -> memref<1x128xi32, #tpu.memory_space<vmem>>
        %dma_wait3A_56 = tpu.memref_squeeze %dma_wait3A_55 : memref<1x128xi32, #tpu.memory_space<vmem>> -> memref<128xi32, #tpu.memory_space<vmem>>
        %dma_wait3A_57 = arith.constant 0 : i32
        %dma_wait3A_58 = arith.constant 0 : i32
        %dma_wait3A_59 = tpu.memref_slice %arg2[%dma_wait3A_57, %dma_wait3A_58] : memref<10240x128xf32, #tpu.memory_space<hbm>> -> memref<10240x128xf32, #tpu.memory_space<hbm>>
        tpu.wait_indirect_dma semaphore(%arg12 : memref<!tpu.dma_semaphore, #tpu.memory_space<semaphore_mem>>) src(%dma_wait3A_59 : memref<10240x128xf32, #tpu.memory_space<hbm>>) dst(%arg9 : memref<128x128xf32, #tpu.memory_space<vmem>>)
        %dma_start3A_60 = arith.constant 0 : i32
        %dma_start3A_61 = tpu.memref_slice %arg8[%add3A_45, %dma_start3A_60] : memref<40x128xi32, #tpu.memory_space<vmem>> -> memref<1x128xi32, #tpu.memory_space<vmem>>
        %dma_start3A_62 = tpu.memref_squeeze %dma_start3A_61 : memref<1x128xi32, #tpu.memory_space<vmem>> -> memref<128xi32, #tpu.memory_space<vmem>>
        %dma_start3A_63 = arith.constant 0 : i32
        %dma_start3A_64 = arith.constant 0 : i32
        %dma_start3A_65 = tpu.memref_slice %arg11[%dma_start3A_63, %dma_start3A_64] : memref<10240x128xf32, #tpu.memory_space<vmem_shared>> -> memref<10240x128xf32, #tpu.memory_space<vmem_shared>>
        tpu.enqueue_indirect_dma source(%arg9 : memref<128x128xf32, #tpu.memory_space<vmem>>) target(%dma_start3A_65 : memref<10240x128xf32, #tpu.memory_space<vmem_shared>>) offsets(%dma_start3A_62 : memref<128xi32, #tpu.memory_space<vmem>>) semaphore(%arg14 : memref<!tpu.dma_semaphore, #tpu.memory_space<semaphore_mem>>) {add = true}
        %mul3A_66 = arith.constant 2 : i32
        %mul3A_67 = arith.muli %mul3A_66, %scan3A_40 : i32
        %add3A_68 = arith.constant 1 : i32
        %add3A_69 = arith.addi %mul3A_67, %add3A_68 : i32
        %add3A_70 = arith.constant 1 : i32
        %add3A_71 = arith.addi %add3A_69, %add3A_70 : i32
        %ge3A_72 = arith.constant 1 : i32
        %ge3A_73 = arith.cmpi sge, %add3A_69, %ge3A_72 : i32
        %convert_element_type3A_74 = arith.extui %ge3A_73 : i1 to i32
        %cond3A_75 = arith.constant 0 : i32
        %cond3A_76 = arith.cmpi ne, %convert_element_type3A_74, %cond3A_75 : i32
        scf.if %cond3A_76 {
          %sub3A = arith.constant 1 : i32
          %sub3A_95 = arith.subi %add3A_69, %sub3A : i32
          %dma_wait3A_96 = arith.constant 0 : i32
          %dma_wait3A_97 = tpu.memref_slice %arg8[%sub3A_95, %dma_wait3A_96] : memref<40x128xi32, #tpu.memory_space<vmem>> -> memref<1x128xi32, #tpu.memory_space<vmem>>
          %dma_wait3A_98 = tpu.memref_squeeze %dma_wait3A_97 : memref<1x128xi32, #tpu.memory_space<vmem>> -> memref<128xi32, #tpu.memory_space<vmem>>
          %dma_wait3A_99 = arith.constant 0 : i32
          %dma_wait3A_100 = arith.constant 0 : i32
          %dma_wait3A_101 = tpu.memref_slice %arg11[%dma_wait3A_99, %dma_wait3A_100] : memref<10240x128xf32, #tpu.memory_space<vmem_shared>> -> memref<10240x128xf32, #tpu.memory_space<vmem_shared>>
          tpu.wait_indirect_dma semaphore(%arg14 : memref<!tpu.dma_semaphore, #tpu.memory_space<semaphore_mem>>) src(%arg9 : memref<128x128xf32, #tpu.memory_space<vmem>>) dst(%dma_wait3A_101 : memref<10240x128xf32, #tpu.memory_space<vmem_shared>>)
        } else {
        }
        %lt3A_77 = arith.constant 40 : i32
        %lt3A_78 = arith.cmpi slt, %add3A_71, %lt3A_77 : i32
        %convert_element_type3A_79 = arith.extui %lt3A_78 : i1 to i32
        %cond3A_80 = arith.constant 0 : i32
        %cond3A_81 = arith.cmpi ne, %convert_element_type3A_79, %cond3A_80 : i32
        scf.if %cond3A_81 {
          %dma_start3A_95 = arith.constant 0 : i32
          %dma_start3A_96 = tpu.memref_slice %arg7[%add3A_71, %dma_start3A_95] : memref<40x128xi32, #tpu.memory_space<vmem>> -> memref<1x128xi32, #tpu.memory_space<vmem>>
          %dma_start3A_97 = tpu.memref_squeeze %dma_start3A_96 : memref<1x128xi32, #tpu.memory_space<vmem>> -> memref<128xi32, #tpu.memory_space<vmem>>
          %dma_start3A_98 = arith.constant 0 : i32
          %dma_start3A_99 = arith.constant 0 : i32
          %dma_start3A_100 = tpu.memref_slice %arg2[%dma_start3A_98, %dma_start3A_99] : memref<10240x128xf32, #tpu.memory_space<hbm>> -> memref<10240x128xf32, #tpu.memory_space<hbm>>
          tpu.enqueue_indirect_dma source(%dma_start3A_100 : memref<10240x128xf32, #tpu.memory_space<hbm>>) target(%arg9 : memref<128x128xf32, #tpu.memory_space<vmem>>) offsets(%dma_start3A_97 : memref<128xi32, #tpu.memory_space<vmem>>) semaphore(%arg12 : memref<!tpu.dma_semaphore, #tpu.memory_space<semaphore_mem>>)
        } else {
        }
        %dma_wait3A_82 = arith.constant 0 : i32
        %dma_wait3A_83 = tpu.memref_slice %arg7[%add3A_69, %dma_wait3A_82] : memref<40x128xi32, #tpu.memory_space<vmem>> -> memref<1x128xi32, #tpu.memory_space<vmem>>
        %dma_wait3A_84 = tpu.memref_squeeze %dma_wait3A_83 : memref<1x128xi32, #tpu.memory_space<vmem>> -> memref<128xi32, #tpu.memory_space<vmem>>
        %dma_wait3A_85 = arith.constant 0 : i32
        %dma_wait3A_86 = arith.constant 0 : i32
        %dma_wait3A_87 = tpu.memref_slice %arg2[%dma_wait3A_85, %dma_wait3A_86] : memref<10240x128xf32, #tpu.memory_space<hbm>> -> memref<10240x128xf32, #tpu.memory_space<hbm>>
        tpu.wait_indirect_dma semaphore(%arg13 : memref<!tpu.dma_semaphore, #tpu.memory_space<semaphore_mem>>) src(%dma_wait3A_87 : memref<10240x128xf32, #tpu.memory_space<hbm>>) dst(%arg10 : memref<128x128xf32, #tpu.memory_space<vmem>>)
        %dma_start3A_88 = arith.constant 0 : i32
        %dma_start3A_89 = tpu.memref_slice %arg8[%add3A_69, %dma_start3A_88] : memref<40x128xi32, #tpu.memory_space<vmem>> -> memref<1x128xi32, #tpu.memory_space<vmem>>
        %dma_start3A_90 = tpu.memref_squeeze %dma_start3A_89 : memref<1x128xi32, #tpu.memory_space<vmem>> -> memref<128xi32, #tpu.memory_space<vmem>>
        %dma_start3A_91 = arith.constant 0 : i32
        %dma_start3A_92 = arith.constant 0 : i32
        %dma_start3A_93 = tpu.memref_slice %arg11[%dma_start3A_91, %dma_start3A_92] : memref<10240x128xf32, #tpu.memory_space<vmem_shared>> -> memref<10240x128xf32, #tpu.memory_space<vmem_shared>>
        tpu.enqueue_indirect_dma source(%arg10 : memref<128x128xf32, #tpu.memory_space<vmem>>) target(%dma_start3A_93 : memref<10240x128xf32, #tpu.memory_space<vmem_shared>>) offsets(%dma_start3A_90 : memref<128xi32, #tpu.memory_space<vmem>>) semaphore(%arg15 : memref<!tpu.dma_semaphore, #tpu.memory_space<semaphore_mem>>) {add = true}
        %scan3A_94 = arith.constant 0 : i32
        scf.yield %scan3A_94 : i32
      }
      %scan3A_32 = arith.constant 20 : i32
      %dma_wait3A = arith.constant 39 : i32
      %dma_wait3A_33 = arith.constant 0 : i32
      %dma_wait3A_34 = tpu.memref_slice %arg8[%dma_wait3A, %dma_wait3A_33] : memref<40x128xi32, #tpu.memory_space<vmem>> -> memref<1x128xi32, #tpu.memory_space<vmem>>
      %dma_wait3A_35 = tpu.memref_squeeze %dma_wait3A_34 : memref<1x128xi32, #tpu.memory_space<vmem>> -> memref<128xi32, #tpu.memory_space<vmem>>
      %dma_wait3A_36 = arith.constant 0 : i32
      %dma_wait3A_37 = arith.constant 0 : i32
      %dma_wait3A_38 = tpu.memref_slice %arg11[%dma_wait3A_36, %dma_wait3A_37] : memref<10240x128xf32, #tpu.memory_space<vmem_shared>> -> memref<10240x128xf32, #tpu.memory_space<vmem_shared>>
      tpu.wait_indirect_dma semaphore(%arg15 : memref<!tpu.dma_semaphore, #tpu.memory_space<semaphore_mem>>) src(%arg10 : memref<128x128xf32, #tpu.memory_space<vmem>>) dst(%dma_wait3A_38 : memref<10240x128xf32, #tpu.memory_space<vmem_shared>>)
      %scan3A_39 = arith.constant 0 : i32
      scf.yield %scan3A_39 : i32
    }
    %scan3A_8 = arith.constant 2 : i32
    %barrier3A_9 = arith.constant 0 : index
    tpu.barrier barrier_id(%barrier3A_9)
    %mul3A_10 = arith.constant 640 : i32
    %mul3A_11 = arith.muli %arg1, %mul3A_10 : i32
    %mul3A_12 = arith.constant 640 : i32
    %mul3A_13 = arith.muli %arg1, %mul3A_12 : i32
    "tpu.region"() ({
      %run_scoped3A = tpu.sem_alloc : memref<!tpu.dma_semaphore, #tpu.memory_space<semaphore_mem>>
      %dma_start3A = arith.constant 0 : i32
      %dma_start3A_14 = tpu.memref_slice %arg6[%arg0, %mul3A_13, %dma_start3A] : memref<2x10240x128xf32, #tpu.memory_space<hbm>> -> memref<1x640x128xf32, #tpu.memory_space<hbm>>
      %dma_start3A_15 = tpu.memref_squeeze %dma_start3A_14 : memref<1x640x128xf32, #tpu.memory_space<hbm>> -> memref<640x128xf32, #tpu.memory_space<hbm>>
      %dma_start3A_16 = arith.constant 0 : i32
      %dma_start3A_17 = tpu.memref_slice %arg11[%mul3A_11, %dma_start3A_16] : memref<10240x128xf32, #tpu.memory_space<vmem_shared>> -> memref<640x128xf32, #tpu.memory_space<vmem_shared>>
      tpu.enqueue_dma source(%dma_start3A_17 : memref<640x128xf32, #tpu.memory_space<vmem_shared>>) target(%dma_start3A_15 : memref<640x128xf32, #tpu.memory_space<hbm>>) target_semaphore(%run_scoped3A : memref<!tpu.dma_semaphore, #tpu.memory_space<semaphore_mem>>)
      %dma_wait3A = arith.constant 0 : i32
      %dma_wait3A_18 = tpu.memref_slice %arg6[%arg0, %mul3A_13, %dma_wait3A] : memref<2x10240x128xf32, #tpu.memory_space<hbm>> -> memref<1x640x128xf32, #tpu.memory_space<hbm>>
      %dma_wait3A_19 = tpu.memref_squeeze %dma_wait3A_18 : memref<1x640x128xf32, #tpu.memory_space<hbm>> -> memref<640x128xf32, #tpu.memory_space<hbm>>
      %dma_wait3A_20 = arith.constant 0 : i32
      %dma_wait3A_21 = tpu.memref_slice %arg11[%mul3A_11, %dma_wait3A_20] : memref<10240x128xf32, #tpu.memory_space<vmem_shared>> -> memref<640x128xf32, #tpu.memory_space<vmem_shared>>
      tpu.wait_dma2 semaphore(%run_scoped3A : memref<!tpu.dma_semaphore, #tpu.memory_space<semaphore_mem>>) src(%dma_wait3A_21 : memref<640x128xf32, #tpu.memory_space<vmem_shared>>) dst(%dma_wait3A_19 : memref<640x128xf32, #tpu.memory_space<hbm>>)
      tpu.yield
    }) : () -> ()
    return
  }
}

#map = affine_map<(d0, d1) -> (0, 0)>
#map1 = affine_map<(d0, d1) -> (0, 0, 0)>
module attributes {stable_mosaic.version = 14 : i64} {
  func.func @_sc_agg_body(%arg0: i32, %arg1: i32, %arg2: memref<10240x128xf32, #tpu.memory_space<hbm>>, %arg3: memref<32x80x128xi32, #tpu.memory_space<hbm>>, %arg4: memref<32x80x128xi32, #tpu.memory_space<hbm>>, %arg5: memref<640x128xf32, #tpu.memory_space<hbm>>, %arg6: memref<2x10240x128xf32, #tpu.memory_space<hbm>>, %arg7: memref<40x128xi32, #tpu.memory_space<vmem>>, %arg8: memref<40x128xi32, #tpu.memory_space<vmem>>, %arg9: memref<128x128xf32, #tpu.memory_space<vmem>>, %arg10: memref<128x128xf32, #tpu.memory_space<vmem>>, %arg11: memref<10240x128xf32, #tpu.memory_space<vmem_shared>>, %arg12: memref<!tpu.dma_semaphore, #tpu.memory_space<semaphore_mem>>, %arg13: memref<!tpu.dma_semaphore, #tpu.memory_space<semaphore_mem>>, %arg14: memref<!tpu.dma_semaphore, #tpu.memory_space<semaphore_mem>>, %arg15: memref<!tpu.dma_semaphore, #tpu.memory_space<semaphore_mem>>) attributes {dimension_semantics = [#tpu.dimension_semantics<core_parallel>, #tpu.dimension_semantics<subcore_parallel>], iteration_bounds = array<i64: 2, 16>, scalar_prefetch = 0 : i64, scratch_operands = 9 : i64, tpu.core_type = #tpu.core_type<sc_vector_subcore>, window_params = [{transform_indices = #map}, {transform_indices = #map1}, {transform_indices = #map1}, {transform_indices = #map}, {transform_indices = #map1}]} {
    %mul3A = arith.constant 2 : i32
    %mul3A_0 = arith.muli %arg1, %mul3A : i32
    %add3A = arith.addi %mul3A_0, %arg0 : i32
    %mul3A_1 = arith.constant 640 : i32
    %mul3A_2 = arith.muli %arg1, %mul3A_1 : i32
    "tpu.region"() ({
      %run_scoped3A = tpu.sem_alloc : memref<!tpu.dma_semaphore, #tpu.memory_space<semaphore_mem>>
      %dma_start3A = arith.constant 0 : i32
      %dma_start3A_14 = tpu.memref_slice %arg11[%mul3A_2, %dma_start3A] : memref<10240x128xf32, #tpu.memory_space<vmem_shared>> -> memref<640x128xf32, #tpu.memory_space<vmem_shared>>
      tpu.enqueue_dma source(%arg5 : memref<640x128xf32, #tpu.memory_space<hbm>>) target(%dma_start3A_14 : memref<640x128xf32, #tpu.memory_space<vmem_shared>>) target_semaphore(%run_scoped3A : memref<!tpu.dma_semaphore, #tpu.memory_space<semaphore_mem>>)
      %dma_wait3A = arith.constant 0 : i32
      %dma_wait3A_15 = tpu.memref_slice %arg11[%mul3A_2, %dma_wait3A] : memref<10240x128xf32, #tpu.memory_space<vmem_shared>> -> memref<640x128xf32, #tpu.memory_space<vmem_shared>>
      tpu.wait_dma2 semaphore(%run_scoped3A : memref<!tpu.dma_semaphore, #tpu.memory_space<semaphore_mem>>) src(%arg5 : memref<640x128xf32, #tpu.memory_space<hbm>>) dst(%dma_wait3A_15 : memref<640x128xf32, #tpu.memory_space<vmem_shared>>)
      tpu.yield
    }) : () -> ()
    %barrier3A = arith.constant 0 : index
    tpu.barrier barrier_id(%barrier3A)
    %scan3A = arith.constant 0 : i32
    %scan3A_3 = arith.constant 0 : i32
    %scan3A_4 = arith.constant 2 : i32
    %scan3A_5 = arith.addi %scan3A_3, %scan3A_4 : i32
    %scan3A_6 = arith.constant 1 : i32
    %scan3A_7 = scf.for %scan3A_14 = %scan3A_3 to %scan3A_5 step %scan3A_6 iter_args(%scan3A_15 = %scan3A) -> (i32)  : i32 {
      %mul3A_16 = arith.constant 40 : i32
      %mul3A_17 = arith.muli %scan3A_14, %mul3A_16 : i32
      "tpu.region"() ({
        %run_scoped3A = tpu.sem_alloc : memref<!tpu.dma_semaphore, #tpu.memory_space<semaphore_mem>>
        %dma_start3A_40 = arith.constant 0 : i32
        %dma_start3A_41 = tpu.memref_slice %arg3[%add3A, %mul3A_17, %dma_start3A_40] : memref<32x80x128xi32, #tpu.memory_space<hbm>> -> memref<1x40x128xi32, #tpu.memory_space<hbm>>
        %dma_start3A_42 = tpu.memref_squeeze %dma_start3A_41 : memref<1x40x128xi32, #tpu.memory_space<hbm>> -> memref<40x128xi32, #tpu.memory_space<hbm>>
        %dma_start3A_43 = arith.constant 0 : i32
        %dma_start3A_44 = tpu.memref_slice %arg3[%add3A, %mul3A_17, %dma_start3A_43] : memref<32x80x128xi32, #tpu.memory_space<hbm>> -> memref<1x40x128xi32, #tpu.memory_space<hbm>>
        %dma_start3A_45 = tpu.memref_squeeze %dma_start3A_44 : memref<1x40x128xi32, #tpu.memory_space<hbm>> -> memref<40x128xi32, #tpu.memory_space<hbm>>
        tpu.enqueue_dma source(%dma_start3A_45 : memref<40x128xi32, #tpu.memory_space<hbm>>) target(%arg7 : memref<40x128xi32, #tpu.memory_space<vmem>>) target_semaphore(%run_scoped3A : memref<!tpu.dma_semaphore, #tpu.memory_space<semaphore_mem>>)
        %dma_wait3A_46 = arith.constant 0 : i32
        %dma_wait3A_47 = tpu.memref_slice %arg3[%add3A, %mul3A_17, %dma_wait3A_46] : memref<32x80x128xi32, #tpu.memory_space<hbm>> -> memref<1x40x128xi32, #tpu.memory_space<hbm>>
        %dma_wait3A_48 = tpu.memref_squeeze %dma_wait3A_47 : memref<1x40x128xi32, #tpu.memory_space<hbm>> -> memref<40x128xi32, #tpu.memory_space<hbm>>
        %dma_wait3A_49 = arith.constant 0 : i32
        %dma_wait3A_50 = tpu.memref_slice %arg3[%add3A, %mul3A_17, %dma_wait3A_49] : memref<32x80x128xi32, #tpu.memory_space<hbm>> -> memref<1x40x128xi32, #tpu.memory_space<hbm>>
        %dma_wait3A_51 = tpu.memref_squeeze %dma_wait3A_50 : memref<1x40x128xi32, #tpu.memory_space<hbm>> -> memref<40x128xi32, #tpu.memory_space<hbm>>
        tpu.wait_dma2 semaphore(%run_scoped3A : memref<!tpu.dma_semaphore, #tpu.memory_space<semaphore_mem>>) src(%dma_wait3A_51 : memref<40x128xi32, #tpu.memory_space<hbm>>) dst(%arg7 : memref<40x128xi32, #tpu.memory_space<vmem>>)
        tpu.yield
      }) : () -> ()
      %mul3A_18 = arith.constant 40 : i32
      %mul3A_19 = arith.muli %scan3A_14, %mul3A_18 : i32
      "tpu.region"() ({
        %run_scoped3A = tpu.sem_alloc : memref<!tpu.dma_semaphore, #tpu.memory_space<semaphore_mem>>
        %dma_start3A_40 = arith.constant 0 : i32
        %dma_start3A_41 = tpu.memref_slice %arg4[%add3A, %mul3A_19, %dma_start3A_40] : memref<32x80x128xi32, #tpu.memory_space<hbm>> -> memref<1x40x128xi32, #tpu.memory_space<hbm>>
        %dma_start3A_42 = tpu.memref_squeeze %dma_start3A_41 : memref<1x40x128xi32, #tpu.memory_space<hbm>> -> memref<40x128xi32, #tpu.memory_space<hbm>>
        %dma_start3A_43 = arith.constant 0 : i32
        %dma_start3A_44 = tpu.memref_slice %arg4[%add3A, %mul3A_19, %dma_start3A_43] : memref<32x80x128xi32, #tpu.memory_space<hbm>> -> memref<1x40x128xi32, #tpu.memory_space<hbm>>
        %dma_start3A_45 = tpu.memref_squeeze %dma_start3A_44 : memref<1x40x128xi32, #tpu.memory_space<hbm>> -> memref<40x128xi32, #tpu.memory_space<hbm>>
        tpu.enqueue_dma source(%dma_start3A_45 : memref<40x128xi32, #tpu.memory_space<hbm>>) target(%arg8 : memref<40x128xi32, #tpu.memory_space<vmem>>) target_semaphore(%run_scoped3A : memref<!tpu.dma_semaphore, #tpu.memory_space<semaphore_mem>>)
        %dma_wait3A_46 = arith.constant 0 : i32
        %dma_wait3A_47 = tpu.memref_slice %arg4[%add3A, %mul3A_19, %dma_wait3A_46] : memref<32x80x128xi32, #tpu.memory_space<hbm>> -> memref<1x40x128xi32, #tpu.memory_space<hbm>>
        %dma_wait3A_48 = tpu.memref_squeeze %dma_wait3A_47 : memref<1x40x128xi32, #tpu.memory_space<hbm>> -> memref<40x128xi32, #tpu.memory_space<hbm>>
        %dma_wait3A_49 = arith.constant 0 : i32
        %dma_wait3A_50 = tpu.memref_slice %arg4[%add3A, %mul3A_19, %dma_wait3A_49] : memref<32x80x128xi32, #tpu.memory_space<hbm>> -> memref<1x40x128xi32, #tpu.memory_space<hbm>>
        %dma_wait3A_51 = tpu.memref_squeeze %dma_wait3A_50 : memref<1x40x128xi32, #tpu.memory_space<hbm>> -> memref<40x128xi32, #tpu.memory_space<hbm>>
        tpu.wait_dma2 semaphore(%run_scoped3A : memref<!tpu.dma_semaphore, #tpu.memory_space<semaphore_mem>>) src(%dma_wait3A_51 : memref<40x128xi32, #tpu.memory_space<hbm>>) dst(%arg8 : memref<40x128xi32, #tpu.memory_space<vmem>>)
        tpu.yield
      }) : () -> ()
      %dma_start3A = arith.constant 0 : i32
      %dma_start3A_20 = arith.constant 0 : i32
      %dma_start3A_21 = tpu.memref_slice %arg7[%dma_start3A, %dma_start3A_20] : memref<40x128xi32, #tpu.memory_space<vmem>> -> memref<1x128xi32, #tpu.memory_space<vmem>>
      %dma_start3A_22 = tpu.memref_squeeze %dma_start3A_21 : memref<1x128xi32, #tpu.memory_space<vmem>> -> memref<128xi32, #tpu.memory_space<vmem>>
      %dma_start3A_23 = arith.constant 0 : i32
      %dma_start3A_24 = arith.constant 0 : i32
      %dma_start3A_25 = tpu.memref_slice %arg2[%dma_start3A_23, %dma_start3A_24] : memref<10240x128xf32, #tpu.memory_space<hbm>> -> memref<10240x128xf32, #tpu.memory_space<hbm>>
      tpu.enqueue_indirect_dma source(%dma_start3A_25 : memref<10240x128xf32, #tpu.memory_space<hbm>>) target(%arg9 : memref<128x128xf32, #tpu.memory_space<vmem>>) offsets(%dma_start3A_22 : memref<128xi32, #tpu.memory_space<vmem>>) semaphore(%arg12 : memref<!tpu.dma_semaphore, #tpu.memory_space<semaphore_mem>>)
      %scan3A_26 = arith.constant 0 : i32
      %scan3A_27 = arith.constant 0 : i32
      %scan3A_28 = arith.constant 20 : i32
      %scan3A_29 = arith.addi %scan3A_27, %scan3A_28 : i32
      %scan3A_30 = arith.constant 1 : i32
      %scan3A_31 = scf.for %scan3A_40 = %scan3A_27 to %scan3A_29 step %scan3A_30 iter_args(%scan3A_41 = %scan3A_26) -> (i32)  : i32 {
        %mul3A_42 = arith.constant 2 : i32
        %mul3A_43 = arith.muli %mul3A_42, %scan3A_40 : i32
        %add3A_44 = arith.constant 0 : i32
        %add3A_45 = arith.addi %mul3A_43, %add3A_44 : i32
        %add3A_46 = arith.constant 1 : i32
        %add3A_47 = arith.addi %add3A_45, %add3A_46 : i32
        %ge3A = arith.constant 1 : i32
        %ge3A_48 = arith.cmpi sge, %add3A_45, %ge3A : i32
        %convert_element_type3A = arith.extui %ge3A_48 : i1 to i32
        %cond3A = arith.constant 0 : i32
        %cond3A_49 = arith.cmpi ne, %convert_element_type3A, %cond3A : i32
        scf.if %cond3A_49 {
          %sub3A = arith.constant 1 : i32
          %sub3A_95 = arith.subi %add3A_45, %sub3A : i32
          %dma_wait3A_96 = arith.constant 0 : i32
          %dma_wait3A_97 = tpu.memref_slice %arg8[%sub3A_95, %dma_wait3A_96] : memref<40x128xi32, #tpu.memory_space<vmem>> -> memref<1x128xi32, #tpu.memory_space<vmem>>
          %dma_wait3A_98 = tpu.memref_squeeze %dma_wait3A_97 : memref<1x128xi32, #tpu.memory_space<vmem>> -> memref<128xi32, #tpu.memory_space<vmem>>
          %dma_wait3A_99 = arith.constant 0 : i32
          %dma_wait3A_100 = arith.constant 0 : i32
          %dma_wait3A_101 = tpu.memref_slice %arg11[%dma_wait3A_99, %dma_wait3A_100] : memref<10240x128xf32, #tpu.memory_space<vmem_shared>> -> memref<10240x128xf32, #tpu.memory_space<vmem_shared>>
          tpu.wait_indirect_dma semaphore(%arg15 : memref<!tpu.dma_semaphore, #tpu.memory_space<semaphore_mem>>) src(%arg10 : memref<128x128xf32, #tpu.memory_space<vmem>>) dst(%dma_wait3A_101 : memref<10240x128xf32, #tpu.memory_space<vmem_shared>>)
        } else {
        }
        %lt3A = arith.constant 40 : i32
        %lt3A_50 = arith.cmpi slt, %add3A_47, %lt3A : i32
        %convert_element_type3A_51 = arith.extui %lt3A_50 : i1 to i32
        %cond3A_52 = arith.constant 0 : i32
        %cond3A_53 = arith.cmpi ne, %convert_element_type3A_51, %cond3A_52 : i32
        scf.if %cond3A_53 {
          %dma_start3A_95 = arith.constant 0 : i32
          %dma_start3A_96 = tpu.memref_slice %arg7[%add3A_47, %dma_start3A_95] : memref<40x128xi32, #tpu.memory_space<vmem>> -> memref<1x128xi32, #tpu.memory_space<vmem>>
          %dma_start3A_97 = tpu.memref_squeeze %dma_start3A_96 : memref<1x128xi32, #tpu.memory_space<vmem>> -> memref<128xi32, #tpu.memory_space<vmem>>
          %dma_start3A_98 = arith.constant 0 : i32
          %dma_start3A_99 = arith.constant 0 : i32
          %dma_start3A_100 = tpu.memref_slice %arg2[%dma_start3A_98, %dma_start3A_99] : memref<10240x128xf32, #tpu.memory_space<hbm>> -> memref<10240x128xf32, #tpu.memory_space<hbm>>
          tpu.enqueue_indirect_dma source(%dma_start3A_100 : memref<10240x128xf32, #tpu.memory_space<hbm>>) target(%arg10 : memref<128x128xf32, #tpu.memory_space<vmem>>) offsets(%dma_start3A_97 : memref<128xi32, #tpu.memory_space<vmem>>) semaphore(%arg13 : memref<!tpu.dma_semaphore, #tpu.memory_space<semaphore_mem>>)
        } else {
        }
        %dma_wait3A_54 = arith.constant 0 : i32
        %dma_wait3A_55 = tpu.memref_slice %arg7[%add3A_45, %dma_wait3A_54] : memref<40x128xi32, #tpu.memory_space<vmem>> -> memref<1x128xi32, #tpu.memory_space<vmem>>
        %dma_wait3A_56 = tpu.memref_squeeze %dma_wait3A_55 : memref<1x128xi32, #tpu.memory_space<vmem>> -> memref<128xi32, #tpu.memory_space<vmem>>
        %dma_wait3A_57 = arith.constant 0 : i32
        %dma_wait3A_58 = arith.constant 0 : i32
        %dma_wait3A_59 = tpu.memref_slice %arg2[%dma_wait3A_57, %dma_wait3A_58] : memref<10240x128xf32, #tpu.memory_space<hbm>> -> memref<10240x128xf32, #tpu.memory_space<hbm>>
        tpu.wait_indirect_dma semaphore(%arg12 : memref<!tpu.dma_semaphore, #tpu.memory_space<semaphore_mem>>) src(%dma_wait3A_59 : memref<10240x128xf32, #tpu.memory_space<hbm>>) dst(%arg9 : memref<128x128xf32, #tpu.memory_space<vmem>>)
        %dma_start3A_60 = arith.constant 0 : i32
        %dma_start3A_61 = tpu.memref_slice %arg8[%add3A_45, %dma_start3A_60] : memref<40x128xi32, #tpu.memory_space<vmem>> -> memref<1x128xi32, #tpu.memory_space<vmem>>
        %dma_start3A_62 = tpu.memref_squeeze %dma_start3A_61 : memref<1x128xi32, #tpu.memory_space<vmem>> -> memref<128xi32, #tpu.memory_space<vmem>>
        %dma_start3A_63 = arith.constant 0 : i32
        %dma_start3A_64 = arith.constant 0 : i32
        %dma_start3A_65 = tpu.memref_slice %arg11[%dma_start3A_63, %dma_start3A_64] : memref<10240x128xf32, #tpu.memory_space<vmem_shared>> -> memref<10240x128xf32, #tpu.memory_space<vmem_shared>>
        tpu.enqueue_indirect_dma source(%arg9 : memref<128x128xf32, #tpu.memory_space<vmem>>) target(%dma_start3A_65 : memref<10240x128xf32, #tpu.memory_space<vmem_shared>>) offsets(%dma_start3A_62 : memref<128xi32, #tpu.memory_space<vmem>>) semaphore(%arg14 : memref<!tpu.dma_semaphore, #tpu.memory_space<semaphore_mem>>) {add = true}
        %mul3A_66 = arith.constant 2 : i32
        %mul3A_67 = arith.muli %mul3A_66, %scan3A_40 : i32
        %add3A_68 = arith.constant 1 : i32
        %add3A_69 = arith.addi %mul3A_67, %add3A_68 : i32
        %add3A_70 = arith.constant 1 : i32
        %add3A_71 = arith.addi %add3A_69, %add3A_70 : i32
        %ge3A_72 = arith.constant 1 : i32
        %ge3A_73 = arith.cmpi sge, %add3A_69, %ge3A_72 : i32
        %convert_element_type3A_74 = arith.extui %ge3A_73 : i1 to i32
        %cond3A_75 = arith.constant 0 : i32
        %cond3A_76 = arith.cmpi ne, %convert_element_type3A_74, %cond3A_75 : i32
        scf.if %cond3A_76 {
          %sub3A = arith.constant 1 : i32
          %sub3A_95 = arith.subi %add3A_69, %sub3A : i32
          %dma_wait3A_96 = arith.constant 0 : i32
          %dma_wait3A_97 = tpu.memref_slice %arg8[%sub3A_95, %dma_wait3A_96] : memref<40x128xi32, #tpu.memory_space<vmem>> -> memref<1x128xi32, #tpu.memory_space<vmem>>
          %dma_wait3A_98 = tpu.memref_squeeze %dma_wait3A_97 : memref<1x128xi32, #tpu.memory_space<vmem>> -> memref<128xi32, #tpu.memory_space<vmem>>
          %dma_wait3A_99 = arith.constant 0 : i32
          %dma_wait3A_100 = arith.constant 0 : i32
          %dma_wait3A_101 = tpu.memref_slice %arg11[%dma_wait3A_99, %dma_wait3A_100] : memref<10240x128xf32, #tpu.memory_space<vmem_shared>> -> memref<10240x128xf32, #tpu.memory_space<vmem_shared>>
          tpu.wait_indirect_dma semaphore(%arg14 : memref<!tpu.dma_semaphore, #tpu.memory_space<semaphore_mem>>) src(%arg9 : memref<128x128xf32, #tpu.memory_space<vmem>>) dst(%dma_wait3A_101 : memref<10240x128xf32, #tpu.memory_space<vmem_shared>>)
        } else {
        }
        %lt3A_77 = arith.constant 40 : i32
        %lt3A_78 = arith.cmpi slt, %add3A_71, %lt3A_77 : i32
        %convert_element_type3A_79 = arith.extui %lt3A_78 : i1 to i32
        %cond3A_80 = arith.constant 0 : i32
        %cond3A_81 = arith.cmpi ne, %convert_element_type3A_79, %cond3A_80 : i32
        scf.if %cond3A_81 {
          %dma_start3A_95 = arith.constant 0 : i32
          %dma_start3A_96 = tpu.memref_slice %arg7[%add3A_71, %dma_start3A_95] : memref<40x128xi32, #tpu.memory_space<vmem>> -> memref<1x128xi32, #tpu.memory_space<vmem>>
          %dma_start3A_97 = tpu.memref_squeeze %dma_start3A_96 : memref<1x128xi32, #tpu.memory_space<vmem>> -> memref<128xi32, #tpu.memory_space<vmem>>
          %dma_start3A_98 = arith.constant 0 : i32
          %dma_start3A_99 = arith.constant 0 : i32
          %dma_start3A_100 = tpu.memref_slice %arg2[%dma_start3A_98, %dma_start3A_99] : memref<10240x128xf32, #tpu.memory_space<hbm>> -> memref<10240x128xf32, #tpu.memory_space<hbm>>
          tpu.enqueue_indirect_dma source(%dma_start3A_100 : memref<10240x128xf32, #tpu.memory_space<hbm>>) target(%arg9 : memref<128x128xf32, #tpu.memory_space<vmem>>) offsets(%dma_start3A_97 : memref<128xi32, #tpu.memory_space<vmem>>) semaphore(%arg12 : memref<!tpu.dma_semaphore, #tpu.memory_space<semaphore_mem>>)
        } else {
        }
        %dma_wait3A_82 = arith.constant 0 : i32
        %dma_wait3A_83 = tpu.memref_slice %arg7[%add3A_69, %dma_wait3A_82] : memref<40x128xi32, #tpu.memory_space<vmem>> -> memref<1x128xi32, #tpu.memory_space<vmem>>
        %dma_wait3A_84 = tpu.memref_squeeze %dma_wait3A_83 : memref<1x128xi32, #tpu.memory_space<vmem>> -> memref<128xi32, #tpu.memory_space<vmem>>
        %dma_wait3A_85 = arith.constant 0 : i32
        %dma_wait3A_86 = arith.constant 0 : i32
        %dma_wait3A_87 = tpu.memref_slice %arg2[%dma_wait3A_85, %dma_wait3A_86] : memref<10240x128xf32, #tpu.memory_space<hbm>> -> memref<10240x128xf32, #tpu.memory_space<hbm>>
        tpu.wait_indirect_dma semaphore(%arg13 : memref<!tpu.dma_semaphore, #tpu.memory_space<semaphore_mem>>) src(%dma_wait3A_87 : memref<10240x128xf32, #tpu.memory_space<hbm>>) dst(%arg10 : memref<128x128xf32, #tpu.memory_space<vmem>>)
        %dma_start3A_88 = arith.constant 0 : i32
        %dma_start3A_89 = tpu.memref_slice %arg8[%add3A_69, %dma_start3A_88] : memref<40x128xi32, #tpu.memory_space<vmem>> -> memref<1x128xi32, #tpu.memory_space<vmem>>
        %dma_start3A_90 = tpu.memref_squeeze %dma_start3A_89 : memref<1x128xi32, #tpu.memory_space<vmem>> -> memref<128xi32, #tpu.memory_space<vmem>>
        %dma_start3A_91 = arith.constant 0 : i32
        %dma_start3A_92 = arith.constant 0 : i32
        %dma_start3A_93 = tpu.memref_slice %arg11[%dma_start3A_91, %dma_start3A_92] : memref<10240x128xf32, #tpu.memory_space<vmem_shared>> -> memref<10240x128xf32, #tpu.memory_space<vmem_shared>>
        tpu.enqueue_indirect_dma source(%arg10 : memref<128x128xf32, #tpu.memory_space<vmem>>) target(%dma_start3A_93 : memref<10240x128xf32, #tpu.memory_space<vmem_shared>>) offsets(%dma_start3A_90 : memref<128xi32, #tpu.memory_space<vmem>>) semaphore(%arg15 : memref<!tpu.dma_semaphore, #tpu.memory_space<semaphore_mem>>) {add = true}
        %scan3A_94 = arith.constant 0 : i32
        scf.yield %scan3A_94 : i32
      }
      %scan3A_32 = arith.constant 20 : i32
      %dma_wait3A = arith.constant 39 : i32
      %dma_wait3A_33 = arith.constant 0 : i32
      %dma_wait3A_34 = tpu.memref_slice %arg8[%dma_wait3A, %dma_wait3A_33] : memref<40x128xi32, #tpu.memory_space<vmem>> -> memref<1x128xi32, #tpu.memory_space<vmem>>
      %dma_wait3A_35 = tpu.memref_squeeze %dma_wait3A_34 : memref<1x128xi32, #tpu.memory_space<vmem>> -> memref<128xi32, #tpu.memory_space<vmem>>
      %dma_wait3A_36 = arith.constant 0 : i32
      %dma_wait3A_37 = arith.constant 0 : i32
      %dma_wait3A_38 = tpu.memref_slice %arg11[%dma_wait3A_36, %dma_wait3A_37] : memref<10240x128xf32, #tpu.memory_space<vmem_shared>> -> memref<10240x128xf32, #tpu.memory_space<vmem_shared>>
      tpu.wait_indirect_dma semaphore(%arg15 : memref<!tpu.dma_semaphore, #tpu.memory_space<semaphore_mem>>) src(%arg10 : memref<128x128xf32, #tpu.memory_space<vmem>>) dst(%dma_wait3A_38 : memref<10240x128xf32, #tpu.memory_space<vmem_shared>>)
      %scan3A_39 = arith.constant 0 : i32
      scf.yield %scan3A_39 : i32
    }
    %scan3A_8 = arith.constant 2 : i32
    %barrier3A_9 = arith.constant 0 : index
    tpu.barrier barrier_id(%barrier3A_9)
    %mul3A_10 = arith.constant 640 : i32
    %mul3A_11 = arith.muli %arg1, %mul3A_10 : i32
    %mul3A_12 = arith.constant 640 : i32
    %mul3A_13 = arith.muli %arg1, %mul3A_12 : i32
    "tpu.region"() ({
      %run_scoped3A = tpu.sem_alloc : memref<!tpu.dma_semaphore, #tpu.memory_space<semaphore_mem>>
      %dma_start3A = arith.constant 0 : i32
      %dma_start3A_14 = tpu.memref_slice %arg6[%arg0, %mul3A_13, %dma_start3A] : memref<2x10240x128xf32, #tpu.memory_space<hbm>> -> memref<1x640x128xf32, #tpu.memory_space<hbm>>
      %dma_start3A_15 = tpu.memref_squeeze %dma_start3A_14 : memref<1x640x128xf32, #tpu.memory_space<hbm>> -> memref<640x128xf32, #tpu.memory_space<hbm>>
      %dma_start3A_16 = arith.constant 0 : i32
      %dma_start3A_17 = tpu.memref_slice %arg11[%mul3A_11, %dma_start3A_16] : memref<10240x128xf32, #tpu.memory_space<vmem_shared>> -> memref<640x128xf32, #tpu.memory_space<vmem_shared>>
      tpu.enqueue_dma source(%dma_start3A_17 : memref<640x128xf32, #tpu.memory_space<vmem_shared>>) target(%dma_start3A_15 : memref<640x128xf32, #tpu.memory_space<hbm>>) target_semaphore(%run_scoped3A : memref<!tpu.dma_semaphore, #tpu.memory_space<semaphore_mem>>)
      %dma_wait3A = arith.constant 0 : i32
      %dma_wait3A_18 = tpu.memref_slice %arg6[%arg0, %mul3A_13, %dma_wait3A] : memref<2x10240x128xf32, #tpu.memory_space<hbm>> -> memref<1x640x128xf32, #tpu.memory_space<hbm>>
      %dma_wait3A_19 = tpu.memref_squeeze %dma_wait3A_18 : memref<1x640x128xf32, #tpu.memory_space<hbm>> -> memref<640x128xf32, #tpu.memory_space<hbm>>
      %dma_wait3A_20 = arith.constant 0 : i32
      %dma_wait3A_21 = tpu.memref_slice %arg11[%mul3A_11, %dma_wait3A_20] : memref<10240x128xf32, #tpu.memory_space<vmem_shared>> -> memref<640x128xf32, #tpu.memory_space<vmem_shared>>
      tpu.wait_dma2 semaphore(%run_scoped3A : memref<!tpu.dma_semaphore, #tpu.memory_space<semaphore_mem>>) src(%dma_wait3A_21 : memref<640x128xf32, #tpu.memory_space<vmem_shared>>) dst(%dma_wait3A_19 : memref<640x128xf32, #tpu.memory_space<hbm>>)
      tpu.yield
    }) : () -> ()
    return
  }
}

#map = affine_map<(d0, d1) -> (0, 0)>
#map1 = affine_map<(d0, d1) -> (0, 0, 0)>
module attributes {stable_mosaic.version = 14 : i64} {
  func.func @_sc_agg_body(%arg0: i32, %arg1: i32, %arg2: memref<10240x128xf32, #tpu.memory_space<hbm>>, %arg3: memref<32x80x128xi32, #tpu.memory_space<hbm>>, %arg4: memref<32x80x128xi32, #tpu.memory_space<hbm>>, %arg5: memref<640x128xf32, #tpu.memory_space<hbm>>, %arg6: memref<2x10240x128xf32, #tpu.memory_space<hbm>>, %arg7: memref<40x128xi32, #tpu.memory_space<vmem>>, %arg8: memref<40x128xi32, #tpu.memory_space<vmem>>, %arg9: memref<128x128xf32, #tpu.memory_space<vmem>>, %arg10: memref<128x128xf32, #tpu.memory_space<vmem>>, %arg11: memref<10240x128xf32, #tpu.memory_space<vmem_shared>>, %arg12: memref<!tpu.dma_semaphore, #tpu.memory_space<semaphore_mem>>, %arg13: memref<!tpu.dma_semaphore, #tpu.memory_space<semaphore_mem>>, %arg14: memref<!tpu.dma_semaphore, #tpu.memory_space<semaphore_mem>>, %arg15: memref<!tpu.dma_semaphore, #tpu.memory_space<semaphore_mem>>) attributes {dimension_semantics = [#tpu.dimension_semantics<core_parallel>, #tpu.dimension_semantics<subcore_parallel>], iteration_bounds = array<i64: 2, 16>, scalar_prefetch = 0 : i64, scratch_operands = 9 : i64, tpu.core_type = #tpu.core_type<sc_vector_subcore>, window_params = [{transform_indices = #map}, {transform_indices = #map1}, {transform_indices = #map1}, {transform_indices = #map}, {transform_indices = #map1}]} {
    %mul3A = arith.constant 2 : i32
    %mul3A_0 = arith.muli %arg1, %mul3A : i32
    %add3A = arith.addi %mul3A_0, %arg0 : i32
    %mul3A_1 = arith.constant 640 : i32
    %mul3A_2 = arith.muli %arg1, %mul3A_1 : i32
    "tpu.region"() ({
      %run_scoped3A = tpu.sem_alloc : memref<!tpu.dma_semaphore, #tpu.memory_space<semaphore_mem>>
      %dma_start3A = arith.constant 0 : i32
      %dma_start3A_14 = tpu.memref_slice %arg11[%mul3A_2, %dma_start3A] : memref<10240x128xf32, #tpu.memory_space<vmem_shared>> -> memref<640x128xf32, #tpu.memory_space<vmem_shared>>
      tpu.enqueue_dma source(%arg5 : memref<640x128xf32, #tpu.memory_space<hbm>>) target(%dma_start3A_14 : memref<640x128xf32, #tpu.memory_space<vmem_shared>>) target_semaphore(%run_scoped3A : memref<!tpu.dma_semaphore, #tpu.memory_space<semaphore_mem>>)
      %dma_wait3A = arith.constant 0 : i32
      %dma_wait3A_15 = tpu.memref_slice %arg11[%mul3A_2, %dma_wait3A] : memref<10240x128xf32, #tpu.memory_space<vmem_shared>> -> memref<640x128xf32, #tpu.memory_space<vmem_shared>>
      tpu.wait_dma2 semaphore(%run_scoped3A : memref<!tpu.dma_semaphore, #tpu.memory_space<semaphore_mem>>) src(%arg5 : memref<640x128xf32, #tpu.memory_space<hbm>>) dst(%dma_wait3A_15 : memref<640x128xf32, #tpu.memory_space<vmem_shared>>)
      tpu.yield
    }) : () -> ()
    %barrier3A = arith.constant 0 : index
    tpu.barrier barrier_id(%barrier3A)
    %scan3A = arith.constant 0 : i32
    %scan3A_3 = arith.constant 0 : i32
    %scan3A_4 = arith.constant 2 : i32
    %scan3A_5 = arith.addi %scan3A_3, %scan3A_4 : i32
    %scan3A_6 = arith.constant 1 : i32
    %scan3A_7 = scf.for %scan3A_14 = %scan3A_3 to %scan3A_5 step %scan3A_6 iter_args(%scan3A_15 = %scan3A) -> (i32)  : i32 {
      %mul3A_16 = arith.constant 40 : i32
      %mul3A_17 = arith.muli %scan3A_14, %mul3A_16 : i32
      "tpu.region"() ({
        %run_scoped3A = tpu.sem_alloc : memref<!tpu.dma_semaphore, #tpu.memory_space<semaphore_mem>>
        %dma_start3A_40 = arith.constant 0 : i32
        %dma_start3A_41 = tpu.memref_slice %arg3[%add3A, %mul3A_17, %dma_start3A_40] : memref<32x80x128xi32, #tpu.memory_space<hbm>> -> memref<1x40x128xi32, #tpu.memory_space<hbm>>
        %dma_start3A_42 = tpu.memref_squeeze %dma_start3A_41 : memref<1x40x128xi32, #tpu.memory_space<hbm>> -> memref<40x128xi32, #tpu.memory_space<hbm>>
        %dma_start3A_43 = arith.constant 0 : i32
        %dma_start3A_44 = tpu.memref_slice %arg3[%add3A, %mul3A_17, %dma_start3A_43] : memref<32x80x128xi32, #tpu.memory_space<hbm>> -> memref<1x40x128xi32, #tpu.memory_space<hbm>>
        %dma_start3A_45 = tpu.memref_squeeze %dma_start3A_44 : memref<1x40x128xi32, #tpu.memory_space<hbm>> -> memref<40x128xi32, #tpu.memory_space<hbm>>
        tpu.enqueue_dma source(%dma_start3A_45 : memref<40x128xi32, #tpu.memory_space<hbm>>) target(%arg7 : memref<40x128xi32, #tpu.memory_space<vmem>>) target_semaphore(%run_scoped3A : memref<!tpu.dma_semaphore, #tpu.memory_space<semaphore_mem>>)
        %dma_wait3A_46 = arith.constant 0 : i32
        %dma_wait3A_47 = tpu.memref_slice %arg3[%add3A, %mul3A_17, %dma_wait3A_46] : memref<32x80x128xi32, #tpu.memory_space<hbm>> -> memref<1x40x128xi32, #tpu.memory_space<hbm>>
        %dma_wait3A_48 = tpu.memref_squeeze %dma_wait3A_47 : memref<1x40x128xi32, #tpu.memory_space<hbm>> -> memref<40x128xi32, #tpu.memory_space<hbm>>
        %dma_wait3A_49 = arith.constant 0 : i32
        %dma_wait3A_50 = tpu.memref_slice %arg3[%add3A, %mul3A_17, %dma_wait3A_49] : memref<32x80x128xi32, #tpu.memory_space<hbm>> -> memref<1x40x128xi32, #tpu.memory_space<hbm>>
        %dma_wait3A_51 = tpu.memref_squeeze %dma_wait3A_50 : memref<1x40x128xi32, #tpu.memory_space<hbm>> -> memref<40x128xi32, #tpu.memory_space<hbm>>
        tpu.wait_dma2 semaphore(%run_scoped3A : memref<!tpu.dma_semaphore, #tpu.memory_space<semaphore_mem>>) src(%dma_wait3A_51 : memref<40x128xi32, #tpu.memory_space<hbm>>) dst(%arg7 : memref<40x128xi32, #tpu.memory_space<vmem>>)
        tpu.yield
      }) : () -> ()
      %mul3A_18 = arith.constant 40 : i32
      %mul3A_19 = arith.muli %scan3A_14, %mul3A_18 : i32
      "tpu.region"() ({
        %run_scoped3A = tpu.sem_alloc : memref<!tpu.dma_semaphore, #tpu.memory_space<semaphore_mem>>
        %dma_start3A_40 = arith.constant 0 : i32
        %dma_start3A_41 = tpu.memref_slice %arg4[%add3A, %mul3A_19, %dma_start3A_40] : memref<32x80x128xi32, #tpu.memory_space<hbm>> -> memref<1x40x128xi32, #tpu.memory_space<hbm>>
        %dma_start3A_42 = tpu.memref_squeeze %dma_start3A_41 : memref<1x40x128xi32, #tpu.memory_space<hbm>> -> memref<40x128xi32, #tpu.memory_space<hbm>>
        %dma_start3A_43 = arith.constant 0 : i32
        %dma_start3A_44 = tpu.memref_slice %arg4[%add3A, %mul3A_19, %dma_start3A_43] : memref<32x80x128xi32, #tpu.memory_space<hbm>> -> memref<1x40x128xi32, #tpu.memory_space<hbm>>
        %dma_start3A_45 = tpu.memref_squeeze %dma_start3A_44 : memref<1x40x128xi32, #tpu.memory_space<hbm>> -> memref<40x128xi32, #tpu.memory_space<hbm>>
        tpu.enqueue_dma source(%dma_start3A_45 : memref<40x128xi32, #tpu.memory_space<hbm>>) target(%arg8 : memref<40x128xi32, #tpu.memory_space<vmem>>) target_semaphore(%run_scoped3A : memref<!tpu.dma_semaphore, #tpu.memory_space<semaphore_mem>>)
        %dma_wait3A_46 = arith.constant 0 : i32
        %dma_wait3A_47 = tpu.memref_slice %arg4[%add3A, %mul3A_19, %dma_wait3A_46] : memref<32x80x128xi32, #tpu.memory_space<hbm>> -> memref<1x40x128xi32, #tpu.memory_space<hbm>>
        %dma_wait3A_48 = tpu.memref_squeeze %dma_wait3A_47 : memref<1x40x128xi32, #tpu.memory_space<hbm>> -> memref<40x128xi32, #tpu.memory_space<hbm>>
        %dma_wait3A_49 = arith.constant 0 : i32
        %dma_wait3A_50 = tpu.memref_slice %arg4[%add3A, %mul3A_19, %dma_wait3A_49] : memref<32x80x128xi32, #tpu.memory_space<hbm>> -> memref<1x40x128xi32, #tpu.memory_space<hbm>>
        %dma_wait3A_51 = tpu.memref_squeeze %dma_wait3A_50 : memref<1x40x128xi32, #tpu.memory_space<hbm>> -> memref<40x128xi32, #tpu.memory_space<hbm>>
        tpu.wait_dma2 semaphore(%run_scoped3A : memref<!tpu.dma_semaphore, #tpu.memory_space<semaphore_mem>>) src(%dma_wait3A_51 : memref<40x128xi32, #tpu.memory_space<hbm>>) dst(%arg8 : memref<40x128xi32, #tpu.memory_space<vmem>>)
        tpu.yield
      }) : () -> ()
      %dma_start3A = arith.constant 0 : i32
      %dma_start3A_20 = arith.constant 0 : i32
      %dma_start3A_21 = tpu.memref_slice %arg7[%dma_start3A, %dma_start3A_20] : memref<40x128xi32, #tpu.memory_space<vmem>> -> memref<1x128xi32, #tpu.memory_space<vmem>>
      %dma_start3A_22 = tpu.memref_squeeze %dma_start3A_21 : memref<1x128xi32, #tpu.memory_space<vmem>> -> memref<128xi32, #tpu.memory_space<vmem>>
      %dma_start3A_23 = arith.constant 0 : i32
      %dma_start3A_24 = arith.constant 0 : i32
      %dma_start3A_25 = tpu.memref_slice %arg2[%dma_start3A_23, %dma_start3A_24] : memref<10240x128xf32, #tpu.memory_space<hbm>> -> memref<10240x128xf32, #tpu.memory_space<hbm>>
      tpu.enqueue_indirect_dma source(%dma_start3A_25 : memref<10240x128xf32, #tpu.memory_space<hbm>>) target(%arg9 : memref<128x128xf32, #tpu.memory_space<vmem>>) offsets(%dma_start3A_22 : memref<128xi32, #tpu.memory_space<vmem>>) semaphore(%arg12 : memref<!tpu.dma_semaphore, #tpu.memory_space<semaphore_mem>>)
      %scan3A_26 = arith.constant 0 : i32
      %scan3A_27 = arith.constant 0 : i32
      %scan3A_28 = arith.constant 20 : i32
      %scan3A_29 = arith.addi %scan3A_27, %scan3A_28 : i32
      %scan3A_30 = arith.constant 1 : i32
      %scan3A_31 = scf.for %scan3A_40 = %scan3A_27 to %scan3A_29 step %scan3A_30 iter_args(%scan3A_41 = %scan3A_26) -> (i32)  : i32 {
        %mul3A_42 = arith.constant 2 : i32
        %mul3A_43 = arith.muli %mul3A_42, %scan3A_40 : i32
        %add3A_44 = arith.constant 0 : i32
        %add3A_45 = arith.addi %mul3A_43, %add3A_44 : i32
        %add3A_46 = arith.constant 1 : i32
        %add3A_47 = arith.addi %add3A_45, %add3A_46 : i32
        %ge3A = arith.constant 1 : i32
        %ge3A_48 = arith.cmpi sge, %add3A_45, %ge3A : i32
        %convert_element_type3A = arith.extui %ge3A_48 : i1 to i32
        %cond3A = arith.constant 0 : i32
        %cond3A_49 = arith.cmpi ne, %convert_element_type3A, %cond3A : i32
        scf.if %cond3A_49 {
          %sub3A = arith.constant 1 : i32
          %sub3A_95 = arith.subi %add3A_45, %sub3A : i32
          %dma_wait3A_96 = arith.constant 0 : i32
          %dma_wait3A_97 = tpu.memref_slice %arg8[%sub3A_95, %dma_wait3A_96] : memref<40x128xi32, #tpu.memory_space<vmem>> -> memref<1x128xi32, #tpu.memory_space<vmem>>
          %dma_wait3A_98 = tpu.memref_squeeze %dma_wait3A_97 : memref<1x128xi32, #tpu.memory_space<vmem>> -> memref<128xi32, #tpu.memory_space<vmem>>
          %dma_wait3A_99 = arith.constant 0 : i32
          %dma_wait3A_100 = arith.constant 0 : i32
          %dma_wait3A_101 = tpu.memref_slice %arg11[%dma_wait3A_99, %dma_wait3A_100] : memref<10240x128xf32, #tpu.memory_space<vmem_shared>> -> memref<10240x128xf32, #tpu.memory_space<vmem_shared>>
          tpu.wait_indirect_dma semaphore(%arg15 : memref<!tpu.dma_semaphore, #tpu.memory_space<semaphore_mem>>) src(%arg10 : memref<128x128xf32, #tpu.memory_space<vmem>>) dst(%dma_wait3A_101 : memref<10240x128xf32, #tpu.memory_space<vmem_shared>>)
        } else {
        }
        %lt3A = arith.constant 40 : i32
        %lt3A_50 = arith.cmpi slt, %add3A_47, %lt3A : i32
        %convert_element_type3A_51 = arith.extui %lt3A_50 : i1 to i32
        %cond3A_52 = arith.constant 0 : i32
        %cond3A_53 = arith.cmpi ne, %convert_element_type3A_51, %cond3A_52 : i32
        scf.if %cond3A_53 {
          %dma_start3A_95 = arith.constant 0 : i32
          %dma_start3A_96 = tpu.memref_slice %arg7[%add3A_47, %dma_start3A_95] : memref<40x128xi32, #tpu.memory_space<vmem>> -> memref<1x128xi32, #tpu.memory_space<vmem>>
          %dma_start3A_97 = tpu.memref_squeeze %dma_start3A_96 : memref<1x128xi32, #tpu.memory_space<vmem>> -> memref<128xi32, #tpu.memory_space<vmem>>
          %dma_start3A_98 = arith.constant 0 : i32
          %dma_start3A_99 = arith.constant 0 : i32
          %dma_start3A_100 = tpu.memref_slice %arg2[%dma_start3A_98, %dma_start3A_99] : memref<10240x128xf32, #tpu.memory_space<hbm>> -> memref<10240x128xf32, #tpu.memory_space<hbm>>
          tpu.enqueue_indirect_dma source(%dma_start3A_100 : memref<10240x128xf32, #tpu.memory_space<hbm>>) target(%arg10 : memref<128x128xf32, #tpu.memory_space<vmem>>) offsets(%dma_start3A_97 : memref<128xi32, #tpu.memory_space<vmem>>) semaphore(%arg13 : memref<!tpu.dma_semaphore, #tpu.memory_space<semaphore_mem>>)
        } else {
        }
        %dma_wait3A_54 = arith.constant 0 : i32
        %dma_wait3A_55 = tpu.memref_slice %arg7[%add3A_45, %dma_wait3A_54] : memref<40x128xi32, #tpu.memory_space<vmem>> -> memref<1x128xi32, #tpu.memory_space<vmem>>
        %dma_wait3A_56 = tpu.memref_squeeze %dma_wait3A_55 : memref<1x128xi32, #tpu.memory_space<vmem>> -> memref<128xi32, #tpu.memory_space<vmem>>
        %dma_wait3A_57 = arith.constant 0 : i32
        %dma_wait3A_58 = arith.constant 0 : i32
        %dma_wait3A_59 = tpu.memref_slice %arg2[%dma_wait3A_57, %dma_wait3A_58] : memref<10240x128xf32, #tpu.memory_space<hbm>> -> memref<10240x128xf32, #tpu.memory_space<hbm>>
        tpu.wait_indirect_dma semaphore(%arg12 : memref<!tpu.dma_semaphore, #tpu.memory_space<semaphore_mem>>) src(%dma_wait3A_59 : memref<10240x128xf32, #tpu.memory_space<hbm>>) dst(%arg9 : memref<128x128xf32, #tpu.memory_space<vmem>>)
        %dma_start3A_60 = arith.constant 0 : i32
        %dma_start3A_61 = tpu.memref_slice %arg8[%add3A_45, %dma_start3A_60] : memref<40x128xi32, #tpu.memory_space<vmem>> -> memref<1x128xi32, #tpu.memory_space<vmem>>
        %dma_start3A_62 = tpu.memref_squeeze %dma_start3A_61 : memref<1x128xi32, #tpu.memory_space<vmem>> -> memref<128xi32, #tpu.memory_space<vmem>>
        %dma_start3A_63 = arith.constant 0 : i32
        %dma_start3A_64 = arith.constant 0 : i32
        %dma_start3A_65 = tpu.memref_slice %arg11[%dma_start3A_63, %dma_start3A_64] : memref<10240x128xf32, #tpu.memory_space<vmem_shared>> -> memref<10240x128xf32, #tpu.memory_space<vmem_shared>>
        tpu.enqueue_indirect_dma source(%arg9 : memref<128x128xf32, #tpu.memory_space<vmem>>) target(%dma_start3A_65 : memref<10240x128xf32, #tpu.memory_space<vmem_shared>>) offsets(%dma_start3A_62 : memref<128xi32, #tpu.memory_space<vmem>>) semaphore(%arg14 : memref<!tpu.dma_semaphore, #tpu.memory_space<semaphore_mem>>) {add = true}
        %mul3A_66 = arith.constant 2 : i32
        %mul3A_67 = arith.muli %mul3A_66, %scan3A_40 : i32
        %add3A_68 = arith.constant 1 : i32
        %add3A_69 = arith.addi %mul3A_67, %add3A_68 : i32
        %add3A_70 = arith.constant 1 : i32
        %add3A_71 = arith.addi %add3A_69, %add3A_70 : i32
        %ge3A_72 = arith.constant 1 : i32
        %ge3A_73 = arith.cmpi sge, %add3A_69, %ge3A_72 : i32
        %convert_element_type3A_74 = arith.extui %ge3A_73 : i1 to i32
        %cond3A_75 = arith.constant 0 : i32
        %cond3A_76 = arith.cmpi ne, %convert_element_type3A_74, %cond3A_75 : i32
        scf.if %cond3A_76 {
          %sub3A = arith.constant 1 : i32
          %sub3A_95 = arith.subi %add3A_69, %sub3A : i32
          %dma_wait3A_96 = arith.constant 0 : i32
          %dma_wait3A_97 = tpu.memref_slice %arg8[%sub3A_95, %dma_wait3A_96] : memref<40x128xi32, #tpu.memory_space<vmem>> -> memref<1x128xi32, #tpu.memory_space<vmem>>
          %dma_wait3A_98 = tpu.memref_squeeze %dma_wait3A_97 : memref<1x128xi32, #tpu.memory_space<vmem>> -> memref<128xi32, #tpu.memory_space<vmem>>
          %dma_wait3A_99 = arith.constant 0 : i32
          %dma_wait3A_100 = arith.constant 0 : i32
          %dma_wait3A_101 = tpu.memref_slice %arg11[%dma_wait3A_99, %dma_wait3A_100] : memref<10240x128xf32, #tpu.memory_space<vmem_shared>> -> memref<10240x128xf32, #tpu.memory_space<vmem_shared>>
          tpu.wait_indirect_dma semaphore(%arg14 : memref<!tpu.dma_semaphore, #tpu.memory_space<semaphore_mem>>) src(%arg9 : memref<128x128xf32, #tpu.memory_space<vmem>>) dst(%dma_wait3A_101 : memref<10240x128xf32, #tpu.memory_space<vmem_shared>>)
        } else {
        }
        %lt3A_77 = arith.constant 40 : i32
        %lt3A_78 = arith.cmpi slt, %add3A_71, %lt3A_77 : i32
        %convert_element_type3A_79 = arith.extui %lt3A_78 : i1 to i32
        %cond3A_80 = arith.constant 0 : i32
        %cond3A_81 = arith.cmpi ne, %convert_element_type3A_79, %cond3A_80 : i32
        scf.if %cond3A_81 {
          %dma_start3A_95 = arith.constant 0 : i32
          %dma_start3A_96 = tpu.memref_slice %arg7[%add3A_71, %dma_start3A_95] : memref<40x128xi32, #tpu.memory_space<vmem>> -> memref<1x128xi32, #tpu.memory_space<vmem>>
          %dma_start3A_97 = tpu.memref_squeeze %dma_start3A_96 : memref<1x128xi32, #tpu.memory_space<vmem>> -> memref<128xi32, #tpu.memory_space<vmem>>
          %dma_start3A_98 = arith.constant 0 : i32
          %dma_start3A_99 = arith.constant 0 : i32
          %dma_start3A_100 = tpu.memref_slice %arg2[%dma_start3A_98, %dma_start3A_99] : memref<10240x128xf32, #tpu.memory_space<hbm>> -> memref<10240x128xf32, #tpu.memory_space<hbm>>
          tpu.enqueue_indirect_dma source(%dma_start3A_100 : memref<10240x128xf32, #tpu.memory_space<hbm>>) target(%arg9 : memref<128x128xf32, #tpu.memory_space<vmem>>) offsets(%dma_start3A_97 : memref<128xi32, #tpu.memory_space<vmem>>) semaphore(%arg12 : memref<!tpu.dma_semaphore, #tpu.memory_space<semaphore_mem>>)
        } else {
        }
        %dma_wait3A_82 = arith.constant 0 : i32
        %dma_wait3A_83 = tpu.memref_slice %arg7[%add3A_69, %dma_wait3A_82] : memref<40x128xi32, #tpu.memory_space<vmem>> -> memref<1x128xi32, #tpu.memory_space<vmem>>
        %dma_wait3A_84 = tpu.memref_squeeze %dma_wait3A_83 : memref<1x128xi32, #tpu.memory_space<vmem>> -> memref<128xi32, #tpu.memory_space<vmem>>
        %dma_wait3A_85 = arith.constant 0 : i32
        %dma_wait3A_86 = arith.constant 0 : i32
        %dma_wait3A_87 = tpu.memref_slice %arg2[%dma_wait3A_85, %dma_wait3A_86] : memref<10240x128xf32, #tpu.memory_space<hbm>> -> memref<10240x128xf32, #tpu.memory_space<hbm>>
        tpu.wait_indirect_dma semaphore(%arg13 : memref<!tpu.dma_semaphore, #tpu.memory_space<semaphore_mem>>) src(%dma_wait3A_87 : memref<10240x128xf32, #tpu.memory_space<hbm>>) dst(%arg10 : memref<128x128xf32, #tpu.memory_space<vmem>>)
        %dma_start3A_88 = arith.constant 0 : i32
        %dma_start3A_89 = tpu.memref_slice %arg8[%add3A_69, %dma_start3A_88] : memref<40x128xi32, #tpu.memory_space<vmem>> -> memref<1x128xi32, #tpu.memory_space<vmem>>
        %dma_start3A_90 = tpu.memref_squeeze %dma_start3A_89 : memref<1x128xi32, #tpu.memory_space<vmem>> -> memref<128xi32, #tpu.memory_space<vmem>>
        %dma_start3A_91 = arith.constant 0 : i32
        %dma_start3A_92 = arith.constant 0 : i32
        %dma_start3A_93 = tpu.memref_slice %arg11[%dma_start3A_91, %dma_start3A_92] : memref<10240x128xf32, #tpu.memory_space<vmem_shared>> -> memref<10240x128xf32, #tpu.memory_space<vmem_shared>>
        tpu.enqueue_indirect_dma source(%arg10 : memref<128x128xf32, #tpu.memory_space<vmem>>) target(%dma_start3A_93 : memref<10240x128xf32, #tpu.memory_space<vmem_shared>>) offsets(%dma_start3A_90 : memref<128xi32, #tpu.memory_space<vmem>>) semaphore(%arg15 : memref<!tpu.dma_semaphore, #tpu.memory_space<semaphore_mem>>) {add = true}
        %scan3A_94 = arith.constant 0 : i32
        scf.yield %scan3A_94 : i32
      }
      %scan3A_32 = arith.constant 20 : i32
      %dma_wait3A = arith.constant 39 : i32
      %dma_wait3A_33 = arith.constant 0 : i32
      %dma_wait3A_34 = tpu.memref_slice %arg8[%dma_wait3A, %dma_wait3A_33] : memref<40x128xi32, #tpu.memory_space<vmem>> -> memref<1x128xi32, #tpu.memory_space<vmem>>
      %dma_wait3A_35 = tpu.memref_squeeze %dma_wait3A_34 : memref<1x128xi32, #tpu.memory_space<vmem>> -> memref<128xi32, #tpu.memory_space<vmem>>
      %dma_wait3A_36 = arith.constant 0 : i32
      %dma_wait3A_37 = arith.constant 0 : i32
      %dma_wait3A_38 = tpu.memref_slice %arg11[%dma_wait3A_36, %dma_wait3A_37] : memref<10240x128xf32, #tpu.memory_space<vmem_shared>> -> memref<10240x128xf32, #tpu.memory_space<vmem_shared>>
      tpu.wait_indirect_dma semaphore(%arg15 : memref<!tpu.dma_semaphore, #tpu.memory_space<semaphore_mem>>) src(%arg10 : memref<128x128xf32, #tpu.memory_space<vmem>>) dst(%dma_wait3A_38 : memref<10240x128xf32, #tpu.memory_space<vmem_shared>>)
      %scan3A_39 = arith.constant 0 : i32
      scf.yield %scan3A_39 : i32
    }
    %scan3A_8 = arith.constant 2 : i32
    %barrier3A_9 = arith.constant 0 : index
    tpu.barrier barrier_id(%barrier3A_9)
    %mul3A_10 = arith.constant 640 : i32
    %mul3A_11 = arith.muli %arg1, %mul3A_10 : i32
    %mul3A_12 = arith.constant 640 : i32
    %mul3A_13 = arith.muli %arg1, %mul3A_12 : i32
    "tpu.region"() ({
      %run_scoped3A = tpu.sem_alloc : memref<!tpu.dma_semaphore, #tpu.memory_space<semaphore_mem>>
      %dma_start3A = arith.constant 0 : i32
      %dma_start3A_14 = tpu.memref_slice %arg6[%arg0, %mul3A_13, %dma_start3A] : memref<2x10240x128xf32, #tpu.memory_space<hbm>> -> memref<1x640x128xf32, #tpu.memory_space<hbm>>
      %dma_start3A_15 = tpu.memref_squeeze %dma_start3A_14 : memref<1x640x128xf32, #tpu.memory_space<hbm>> -> memref<640x128xf32, #tpu.memory_space<hbm>>
      %dma_start3A_16 = arith.constant 0 : i32
      %dma_start3A_17 = tpu.memref_slice %arg11[%mul3A_11, %dma_start3A_16] : memref<10240x128xf32, #tpu.memory_space<vmem_shared>> -> memref<640x128xf32, #tpu.memory_space<vmem_shared>>
      tpu.enqueue_dma source(%dma_start3A_17 : memref<640x128xf32, #tpu.memory_space<vmem_shared>>) target(%dma_start3A_15 : memref<640x128xf32, #tpu.memory_space<hbm>>) target_semaphore(%run_scoped3A : memref<!tpu.dma_semaphore, #tpu.memory_space<semaphore_mem>>)
      %dma_wait3A = arith.constant 0 : i32
      %dma_wait3A_18 = tpu.memref_slice %arg6[%arg0, %mul3A_13, %dma_wait3A] : memref<2x10240x128xf32, #tpu.memory_space<hbm>> -> memref<1x640x128xf32, #tpu.memory_space<hbm>>
      %dma_wait3A_19 = tpu.memref_squeeze %dma_wait3A_18 : memref<1x640x128xf32, #tpu.memory_space<hbm>> -> memref<640x128xf32, #tpu.memory_space<hbm>>
      %dma_wait3A_20 = arith.constant 0 : i32
      %dma_wait3A_21 = tpu.memref_slice %arg11[%mul3A_11, %dma_wait3A_20] : memref<10240x128xf32, #tpu.memory_space<vmem_shared>> -> memref<640x128xf32, #tpu.memory_space<vmem_shared>>
      tpu.wait_dma2 semaphore(%run_scoped3A : memref<!tpu.dma_semaphore, #tpu.memory_space<semaphore_mem>>) src(%dma_wait3A_21 : memref<640x128xf32, #tpu.memory_space<vmem_shared>>) dst(%dma_wait3A_19 : memref<640x128xf32, #tpu.memory_space<hbm>>)
      tpu.yield
    }) : () -> ()
    return
  }
}

module attributes {stable_mosaic.version = 14 : i64} {
  func.func @_tc_prep_body(%arg0: i32, %arg1: memref<640x128xf32, #tpu.memory_space<vmem>>, %arg2: memref<128x128xf32, #tpu.memory_space<vmem>>, %arg3: memref<32x640xf32, #tpu.memory_space<vmem>>, %arg4: memref<640x1xf32, #tpu.memory_space<vmem>>, %arg5: memref<640x128xf32, #tpu.memory_space<vmem>>) attributes {dimension_semantics = [#tpu.dimension_semantics<arbitrary>], iteration_bounds = array<i64: 16>, scalar_prefetch = 0 : i64, scratch_operands = 0 : i64, tpu.core_type = #tpu.core_type<tc>, window_params = [{transform_indices = @transform_0, window_bounds = array<i64: 640, 128>}, {pipeline_mode = #tpu.pipeline_mode<synchronous>, transform_indices = @transform_1, window_bounds = array<i64: 128, 128>}, {transform_indices = @transform_2, window_bounds = array<i64: 32, 640>}, {transform_indices = @transform_3, window_bounds = array<i64: 640, 1>}, {transform_indices = @transform_4, window_bounds = array<i64: 640, 128>}]} {
    %get3A = arith.constant 0 : index
    %get3A_0 = arith.constant 0 : index
    %get3A_1 = vector.load %arg3[%get3A, %get3A_0] : memref<32x640xf32, #tpu.memory_space<vmem>>, vector<32x640xf32>
    %reduce_sum3A = arith.constant dense<0.000000e+00> : vector<640xf32>
    %reduce_sum3A_2 = vector.multi_reduction <add>, %get3A_1, %reduce_sum3A [0] : vector<32x640xf32> to vector<640xf32>
    %add3A = arith.constant 1.000000e+00 : f32
    %add3A_3 = vector.broadcast %add3A : f32 to vector<640xf32>
    %add3A_4 = arith.addf %reduce_sum3A_2, %add3A_3 : vector<640xf32>
    %rsqrt3A = math.rsqrt %add3A_4 : vector<640xf32>
    %broadcast_in_dim3A = vector.shape_cast %rsqrt3A : vector<640xf32> to vector<640x1xf32>
    %swap3A = arith.constant 0 : index
    %swap3A_5 = arith.constant 0 : index
    %swap3A_6 = vector.load %arg4[%swap3A, %swap3A_5] : memref<640x1xf32, #tpu.memory_space<vmem>>, vector<640x1xf32>
    tpu.vector_store %arg4[%swap3A, %swap3A_5], %broadcast_in_dim3A {strides = array<i32>} : memref<640x1xf32, #tpu.memory_space<vmem>>, vector<640x1xf32>,
    %get3A_7 = arith.constant 0 : index
    %get3A_8 = arith.constant 0 : index
    %get3A_9 = vector.load %arg1[%get3A_7, %get3A_8] : memref<640x128xf32, #tpu.memory_space<vmem>>, vector<640x128xf32>
    %get3A_10 = arith.constant 0 : index
    %get3A_11 = arith.constant 0 : index
    %get3A_12 = vector.load %arg2[%get3A_10, %get3A_11] : memref<128x128xf32, #tpu.memory_space<vmem>>, vector<128x128xf32>
    %dot_general3A = arith.constant dense<0.000000e+00> : vector<640x128xf32>
    %dot_general3A_13 = tpu.matmul %get3A_9, %get3A_12, %dot_general3A {dimension_numbers = #tpu.dot_dimension_numbers<[1], [0], [0], [1], [0, 0, 1, 1], [], []>, transpose_lhs_hint = false} : vector<640x128xf32>, vector<128x128xf32>, vector<640x128xf32> -> vector<640x128xf32>
    %broadcast_in_dim3A_14 = vector.shape_cast %rsqrt3A : vector<640xf32> to vector<640x1xf32>
    %mul3A = vector.broadcast %broadcast_in_dim3A_14 : vector<640x1xf32> to vector<640x128xf32>
    %mul3A_15 = arith.mulf %mul3A, %dot_general3A_13 : vector<640x128xf32>
    %swap3A_16 = arith.constant 0 : index
    %swap3A_17 = arith.constant 0 : index
    %swap3A_18 = vector.load %arg5[%swap3A_16, %swap3A_17] : memref<640x128xf32, #tpu.memory_space<vmem>>, vector<640x128xf32>
    tpu.vector_store %arg5[%swap3A_16, %swap3A_17], %mul3A_15 {strides = array<i32>} : memref<640x128xf32, #tpu.memory_space<vmem>>, vector<640x128xf32>,
    return
  }
  func.func @transform_0(%arg0: i32) -> (i32, i32) {
    %c0_i32 = arith.constant 0 : i32
    %c0_i32_0 = arith.constant 0 : i32
    return %arg0, %c0_i32 : i32, i32
  }
  func.func @transform_1(%arg0: i32) -> (i32, i32) {
    %c0_i32 = arith.constant 0 : i32
    %c0_i32_0 = arith.constant 0 : i32
    %c0_i32_1 = arith.constant 0 : i32
    return %c0_i32, %c0_i32_0 : i32, i32
  }
  func.func @transform_2(%arg0: i32) -> (i32, i32) {
    %c0_i32 = arith.constant 0 : i32
    %c0_i32_0 = arith.constant 0 : i32
    return %c0_i32, %arg0 : i32, i32
  }
  func.func @transform_3(%arg0: i32) -> (i32, i32) {
    %c0_i32 = arith.constant 0 : i32
    %c0_i32_0 = arith.constant 0 : i32
    return %arg0, %c0_i32 : i32, i32
  }
  func.func @transform_4(%arg0: i32) -> (i32, i32) {
    %c0_i32 = arith.constant 0 : i32
    %c0_i32_0 = arith.constant 0 : i32
    return %arg0, %c0_i32 : i32, i32
  }
}

module attributes {stable_mosaic.version = 14 : i64} {
  func.func @_tc_mid_body(%arg0: i32, %arg1: memref<2x640x128xf32, #tpu.memory_space<vmem>>, %arg2: memref<640x128xf32, #tpu.memory_space<vmem>>, %arg3: memref<640x1xf32, #tpu.memory_space<vmem>>, %arg4: memref<1x128xf32, #tpu.memory_space<vmem>>, %arg5: memref<128x128xf32, #tpu.memory_space<vmem>>, %arg6: memref<640x128xf32, #tpu.memory_space<vmem>>) attributes {dimension_semantics = [#tpu.dimension_semantics<arbitrary>], iteration_bounds = array<i64: 16>, scalar_prefetch = 0 : i64, scratch_operands = 0 : i64, tpu.core_type = #tpu.core_type<tc>, window_params = [{transform_indices = @transform_0, window_bounds = array<i64: 2, 640, 128>}, {transform_indices = @transform_1, window_bounds = array<i64: 640, 128>}, {transform_indices = @transform_2, window_bounds = array<i64: 640, 1>}, {pipeline_mode = #tpu.pipeline_mode<synchronous>, transform_indices = @transform_3, window_bounds = array<i64: 1, 128>}, {pipeline_mode = #tpu.pipeline_mode<synchronous>, transform_indices = @transform_4, window_bounds = array<i64: 128, 128>}, {transform_indices = @transform_5, window_bounds = array<i64: 640, 128>}]} {
    %get3A = arith.constant 0 : index
    %get3A_0 = arith.constant 0 : index
    %get3A_1 = vector.load %arg3[%get3A, %get3A_0] : memref<640x1xf32, #tpu.memory_space<vmem>>, vector<640x1xf32>
    %get3A_2 = arith.constant 0 : index
    %get3A_3 = arith.constant 0 : index
    %get3A_4 = arith.constant 0 : index
    %get3A_5 = vector.load %arg1[%get3A_2, %get3A_3, %get3A_4] : memref<2x640x128xf32, #tpu.memory_space<vmem>>, vector<1x640x128xf32>
    %get3A_6 = vector.shape_cast %get3A_5 : vector<1x640x128xf32> to vector<640x128xf32>
    %get3A_7 = arith.constant 1 : index
    %get3A_8 = arith.constant 0 : index
    %get3A_9 = arith.constant 0 : index
    %get3A_10 = vector.load %arg1[%get3A_7, %get3A_8, %get3A_9] : memref<2x640x128xf32, #tpu.memory_space<vmem>>, vector<1x640x128xf32>
    %get3A_11 = vector.shape_cast %get3A_10 : vector<1x640x128xf32> to vector<640x128xf32>
    %add3A = arith.addf %get3A_6, %get3A_11 : vector<640x128xf32>
    %get3A_12 = arith.constant 0 : index
    %get3A_13 = arith.constant 0 : index
    %get3A_14 = vector.load %arg2[%get3A_12, %get3A_13] : memref<640x128xf32, #tpu.memory_space<vmem>>, vector<640x128xf32>
    %add3A_15 = arith.addf %add3A, %get3A_14 : vector<640x128xf32>
    %mul3A = vector.broadcast %get3A_1 : vector<640x1xf32> to vector<640x128xf32>
    %mul3A_16 = arith.mulf %mul3A, %add3A_15 : vector<640x128xf32>
    %get3A_17 = arith.constant 0 : index
    %get3A_18 = arith.constant 0 : index
    %get3A_19 = vector.load %arg4[%get3A_17, %get3A_18] : memref<1x128xf32, #tpu.memory_space<vmem>>, vector<1x128xf32>
    %add3A_20 = vector.broadcast %get3A_19 : vector<1x128xf32> to vector<640x128xf32>
    %add3A_21 = arith.addf %mul3A_16, %add3A_20 : vector<640x128xf32>
    %max3A = arith.constant 0.000000e+00 : f32
    %max3A_22 = vector.broadcast %max3A : f32 to vector<640x128xf32>
    %max3A_23 = arith.maximumf %add3A_21, %max3A_22 : vector<640x128xf32>
    %get3A_24 = arith.constant 0 : index
    %get3A_25 = arith.constant 0 : index
    %get3A_26 = vector.load %arg5[%get3A_24, %get3A_25] : memref<128x128xf32, #tpu.memory_space<vmem>>, vector<128x128xf32>
    %dot_general3A = arith.constant dense<0.000000e+00> : vector<640x128xf32>
    %dot_general3A_27 = tpu.matmul %max3A_23, %get3A_26, %dot_general3A {dimension_numbers = #tpu.dot_dimension_numbers<[1], [0], [0], [1], [0, 0, 1, 1], [], []>, transpose_lhs_hint = false} : vector<640x128xf32>, vector<128x128xf32>, vector<640x128xf32> -> vector<640x128xf32>
    %mul3A_28 = vector.broadcast %get3A_1 : vector<640x1xf32> to vector<640x128xf32>
    %mul3A_29 = arith.mulf %mul3A_28, %dot_general3A_27 : vector<640x128xf32>
    %swap3A = arith.constant 0 : index
    %swap3A_30 = arith.constant 0 : index
    %swap3A_31 = vector.load %arg6[%swap3A, %swap3A_30] : memref<640x128xf32, #tpu.memory_space<vmem>>, vector<640x128xf32>
    tpu.vector_store %arg6[%swap3A, %swap3A_30], %mul3A_29 {strides = array<i32>} : memref<640x128xf32, #tpu.memory_space<vmem>>, vector<640x128xf32>,
    return
  }
  func.func @transform_0(%arg0: i32) -> (i32, i32, i32) {
    %c0_i32 = arith.constant 0 : i32
    %c0_i32_0 = arith.constant 0 : i32
    %c0_i32_1 = arith.constant 0 : i32
    return %c0_i32, %arg0, %c0_i32_0 : i32, i32, i32
  }
  func.func @transform_1(%arg0: i32) -> (i32, i32) {
    %c0_i32 = arith.constant 0 : i32
    %c0_i32_0 = arith.constant 0 : i32
    return %arg0, %c0_i32 : i32, i32
  }
  func.func @transform_2(%arg0: i32) -> (i32, i32) {
    %c0_i32 = arith.constant 0 : i32
    %c0_i32_0 = arith.constant 0 : i32
    return %arg0, %c0_i32 : i32, i32
  }
  func.func @transform_3(%arg0: i32) -> (i32, i32) {
    %c0_i32 = arith.constant 0 : i32
    %c0_i32_0 = arith.constant 0 : i32
    %c0_i32_1 = arith.constant 0 : i32
    return %c0_i32, %c0_i32_0 : i32, i32
  }
  func.func @transform_4(%arg0: i32) -> (i32, i32) {
    %c0_i32 = arith.constant 0 : i32
    %c0_i32_0 = arith.constant 0 : i32
    %c0_i32_1 = arith.constant 0 : i32
    return %c0_i32, %c0_i32_0 : i32, i32
  }
  func.func @transform_5(%arg0: i32) -> (i32, i32) {
    %c0_i32 = arith.constant 0 : i32
    %c0_i32_0 = arith.constant 0 : i32
    return %arg0, %c0_i32 : i32, i32
  }
}

module attributes {stable_mosaic.version = 14 : i64} {
  func.func @_tc_final_body(%arg0: i32, %arg1: memref<2x640x128xf32, #tpu.memory_space<vmem>>, %arg2: memref<640x128xf32, #tpu.memory_space<vmem>>, %arg3: memref<640x1xf32, #tpu.memory_space<vmem>>, %arg4: memref<1x128xf32, #tpu.memory_space<vmem>>, %arg5: memref<640x128xf32, #tpu.memory_space<vmem>>) attributes {dimension_semantics = [#tpu.dimension_semantics<arbitrary>], iteration_bounds = array<i64: 16>, scalar_prefetch = 0 : i64, scratch_operands = 0 : i64, tpu.core_type = #tpu.core_type<tc>, window_params = [{transform_indices = @transform_0, window_bounds = array<i64: 2, 640, 128>}, {transform_indices = @transform_1, window_bounds = array<i64: 640, 128>}, {transform_indices = @transform_2, window_bounds = array<i64: 640, 1>}, {pipeline_mode = #tpu.pipeline_mode<synchronous>, transform_indices = @transform_3, window_bounds = array<i64: 1, 128>}, {transform_indices = @transform_4, window_bounds = array<i64: 640, 128>}]} {
    %get3A = arith.constant 0 : index
    %get3A_0 = arith.constant 0 : index
    %get3A_1 = vector.load %arg3[%get3A, %get3A_0] : memref<640x1xf32, #tpu.memory_space<vmem>>, vector<640x1xf32>
    %get3A_2 = arith.constant 0 : index
    %get3A_3 = arith.constant 0 : index
    %get3A_4 = arith.constant 0 : index
    %get3A_5 = vector.load %arg1[%get3A_2, %get3A_3, %get3A_4] : memref<2x640x128xf32, #tpu.memory_space<vmem>>, vector<1x640x128xf32>
    %get3A_6 = vector.shape_cast %get3A_5 : vector<1x640x128xf32> to vector<640x128xf32>
    %get3A_7 = arith.constant 1 : index
    %get3A_8 = arith.constant 0 : index
    %get3A_9 = arith.constant 0 : index
    %get3A_10 = vector.load %arg1[%get3A_7, %get3A_8, %get3A_9] : memref<2x640x128xf32, #tpu.memory_space<vmem>>, vector<1x640x128xf32>
    %get3A_11 = vector.shape_cast %get3A_10 : vector<1x640x128xf32> to vector<640x128xf32>
    %add3A = arith.addf %get3A_6, %get3A_11 : vector<640x128xf32>
    %get3A_12 = arith.constant 0 : index
    %get3A_13 = arith.constant 0 : index
    %get3A_14 = vector.load %arg2[%get3A_12, %get3A_13] : memref<640x128xf32, #tpu.memory_space<vmem>>, vector<640x128xf32>
    %add3A_15 = arith.addf %add3A, %get3A_14 : vector<640x128xf32>
    %mul3A = vector.broadcast %get3A_1 : vector<640x1xf32> to vector<640x128xf32>
    %mul3A_16 = arith.mulf %mul3A, %add3A_15 : vector<640x128xf32>
    %get3A_17 = arith.constant 0 : index
    %get3A_18 = arith.constant 0 : index
    %get3A_19 = vector.load %arg4[%get3A_17, %get3A_18] : memref<1x128xf32, #tpu.memory_space<vmem>>, vector<1x128xf32>
    %add3A_20 = vector.broadcast %get3A_19 : vector<1x128xf32> to vector<640x128xf32>
    %add3A_21 = arith.addf %mul3A_16, %add3A_20 : vector<640x128xf32>
    %swap3A = arith.constant 0 : index
    %swap3A_22 = arith.constant 0 : index
    %swap3A_23 = vector.load %arg5[%swap3A, %swap3A_22] : memref<640x128xf32, #tpu.memory_space<vmem>>, vector<640x128xf32>
    tpu.vector_store %arg5[%swap3A, %swap3A_22], %add3A_21 {strides = array<i32>} : memref<640x128xf32, #tpu.memory_space<vmem>>, vector<640x128xf32>,
    return
  }
  func.func @transform_0(%arg0: i32) -> (i32, i32, i32) {
    %c0_i32 = arith.constant 0 : i32
    %c0_i32_0 = arith.constant 0 : i32
    %c0_i32_1 = arith.constant 0 : i32
    return %c0_i32, %arg0, %c0_i32_0 : i32, i32, i32
  }
  func.func @transform_1(%arg0: i32) -> (i32, i32) {
    %c0_i32 = arith.constant 0 : i32
    %c0_i32_0 = arith.constant 0 : i32
    return %arg0, %c0_i32 : i32, i32
  }
  func.func @transform_2(%arg0: i32) -> (i32, i32) {
    %c0_i32 = arith.constant 0 : i32
    %c0_i32_0 = arith.constant 0 : i32
    return %arg0, %c0_i32 : i32, i32
  }
  func.func @transform_3(%arg0: i32) -> (i32, i32) {
    %c0_i32 = arith.constant 0 : i32
    %c0_i32_0 = arith.constant 0 : i32
    %c0_i32_1 = arith.constant 0 : i32
    return %c0_i32, %c0_i32_0 : i32, i32
  }
  func.func @transform_4(%arg0: i32) -> (i32, i32) {
    %c0_i32 = arith.constant 0 : i32
    %c0_i32_0 = arith.constant 0 : i32
    return %arg0, %c0_i32 : i32, i32
  }
}

</mosaic_0001>

<sc_bundles>
// kernel: kernel.10.cloned.1.call-start
scs
__scs_entry_jumppad:
0x0: {  	(pc) =	sbr.rel $0x88, $3  }
0x1: {  	(tag) =	ssettag $0x0;
	lr =	simm.s32 $0x1  }
0x2: {  	[smem:$0x3F99] =	sst lr;
	_ =	strace $0xD0000000  }
0x3: {  	_ = 	snop  }
0x4: {  	_ = 	snop  }
0x5: {  	_ = 	snop  }
0x6: {  	_ = 	snop  }
0x7: {  	_ = 	snop  }
__scs_overlays_trampoline_lowered:
0x8: {  	[smem:$0x3FA8] =	sst s0  }
0x9: {  	[smem:$0x3FA9] =	sst s1  }
0xa: {  	[smem:$0x3FAA] =	sst s2  }
0xb: {  	[smem:$0x3FAB] =	sst s3  }
0xc: {  	[smem:$0x3FAC] =	sst s4  }
0xd: {  	[smem:$0x3FAD] =	sst s5  }
0xe: {  	[smem:$0x3FAE] =	sst s6  }
0xf: {  	[smem:$0x3FAF] =	sst s7  }
0x10: {  	[smem:$0x3FB0] =	sst s8  }
0x11: {  	[smem:$0x3FB1] =	sst s9;
	s0 =	simm.s32 @!p0 $0x0  }
0x12: {  	s1 =	sld [smem:$0x3F97];
	s0 =	simm.s32 @p0 $0x1  }
0x13: {  	[smem:$0x3FB2] =	sst s0;
	s0 =	simm.s32 @!p1 $0x0  }
0x14: {  	s2 =	sld [smem:$0x3F96];
	s0 =	simm.s32 @p1 $0x1  }
0x15: {  	[smem:$0x3FB3] =	sst s0;
	s0 =	simm.s32 @!p2 $0x0  }
0x16: {  	s3 =	sld [smem:$0x3FDB];
	s0 =	simm.s32 @p2 $0x1  }
0x17: {  	s4 =	simm.s32 $0x1BF5;
	[smem:$0x3FB5] =	sst s0  }
0x18: {  	s0 =	sld [smem:$0x3F98];
	_ =	swait.ge [sflag:s4], $0x0  }
0x19: {  	s7 =	sld [smem:$0x3F99]  }
0x1a: {  	s8 =	sadd.s32 $0xFFFFE003, lr  }
0x1b: {  	s9 =	sadd.s32 $0xFFFFFEF7, lr;
	s5 =	simm.s32 $0xFFFFFFFF;
	p2 =	slt.u32 s8, $0xFFFFF086  }
0x1c: {  	p1 =	slt.u32 s9, $0xF7A;
	s5 =	simm.s32 @!p2 $0x0  }
0x1d: {  	s5 =	simm.s32 @p1 $0x1;
	p0 =	seq.s32 s7, s2  }
0x1e: {  	s7 =	smul.u32 @!p0 $0xF7A, s2;
	p2 =	seq.s32 @!p0 s5, $0x0  }
0x1f: {  	s9 =	smul.u32 $0xF7A, s1;
	s8 =	simm.s32 @!p0 $0x1BF5;
	p2 =	por !p2, p0  }
0x20: {  	[sflag:s8] =	ssyncset.s32 @!p0 $0xFFFFF086;
	s6 =	sadd.s32 @!p0 s3, s7;
	s7 =	simm.s32 @!p0 $0x108  }
0x21: {  	s3 =	sadd.s32 s3, s9;
	s6 =	sadd.s32 @!p0 $0x88, s6;
	s7 =	simm.s32 @p2 $0x1082  }
0x22: {  	[simem:s7], [sflag:s8] =	dma.local @!p0 [hbm:s6], $0xF7A  }
0x23: {  	s9 =	sor.u32 $0xD0000000, s2;
	s6 =	simm.s32 $0x108;
	_ =	swait.ge @!p0 [sflag:s8], $0x0  }
0x24: {  	s3 =	sadd.s32 $0x88, s3;
	s6 =	simm.s32 @!p1 $0x1082;
	[sflag:s4] =	ssyncset.s32 $0xFFFFF086  }
0x25: {  	[simem:s6], [sflag:s4] =	dma.local [hbm:s3], $0xF7A  }
0x26: {  	[smem:$0x3F99] =	sst s1;
	(tag) =	ssettag s2;
	_ =	strace s9  }
0x27: {  	s1 =	sld [smem:$0x3FA9]  }
0x28: {  	s2 =	sld [smem:$0x3FAA]  }
0x29: {  	s4 =	sld [smem:$0x3FAC]  }
0x2a: {  	p0 =	seq.s32 s5, $0x0;
	s5 =	sld [smem:$0x3FAD]  }
0x2b: {  	s6 =	sld [smem:$0x3FAE]  }
0x2c: {  	s7 =	sld [smem:$0x3FAF]  }
0x2d: {  	s3 =	simm.s32 $0x108;
	s8 =	sld [smem:$0x3FB0]  }
0x2e: {  	s3 =	simm.s32 @!p0 $0x1082;
	s9 =	sld [smem:$0x3FB1]  }
0x2f: {  	lr =	sadd.s32 s0, s3;
	s0 =	sld [smem:$0x3FA8]  }
0x30: {  	s3 =	sld [smem:$0x3FAB]  }
0x31: {  	[smem:$0x3FB4] =	sst s10  }
0x32: {  	s10 =	sld [smem:$0x3FB2];
	_ =	sdelay $0x3  }
0x33: {  	p0 =	seq.s32 s10, $0x1;
	s10 =	sld [smem:$0x3FB4];
	_ =	sdelay $0x3  }
0x34: {  	[smem:$0x3FB4] =	sst s10  }
0x35: {  	s10 =	sld [smem:$0x3FB3];
	_ =	sdelay $0x3  }
0x36: {  	p1 =	seq.s32 s10, $0x1;
	s10 =	sld [smem:$0x3FB4];
	_ =	sdelay $0x3  }
0x37: {  	[smem:$0x3FB4] =	sst s10  }
0x38: {  	s10 =	sld [smem:$0x3FB5]  }
0x39: {  	_ = 	snop;
	(pc) =	sbr.ind lr, $3  }
0x3a: {  	_ = 	snop  }
0x3b: {  	_ = 	snop  }
0x3c: {  	p2 =	seq.s32 s10, $0x1;
	s10 =	sld [smem:$0x3FB4]  }
0x3d: {  	_ =	shalt  }
0x3e: {  	_ =	shalt  }
0x3f: {  	_ =	shalt  }
0x40: {  	_ =	shalt  }
0x41: {  	_ =	shalt  }
0x42: {  	_ =	shalt  }
0x43: {  	_ =	shalt  }
0x44: {  	_ =	shalt  }
0x45: {  	_ =	shalt  }
0x46: {  	_ =	shalt  }
0x47: {  	_ =	shalt  }
0x48: {  	_ =	shalt  }
0x49: {  	_ =	shalt  }
0x4a: {  	_ =	shalt  }
0x4b: {  	_ =	shalt  }
0x4c: {  	_ =	shalt  }
0x4d: {  	_ =	shalt  }
0x4e: {  	_ =	shalt  }
0x4f: {  	_ =	shalt  }
0x50: {  	_ =	shalt  }
0x51: {  	_ =	shalt  }
0x52: {  	_ =	shalt  }
0x53: {  	_ =	shalt  }
0x54: {  	_ =	shalt  }
0x55: {  	_ =	shalt  }
0x56: {  	_ =	shalt  }
0x57: {  	_ =	shalt  }
0x58: {  	_ =	shalt  }
0x59: {  	_ =	shalt  }
0x5a: {  	_ =	shalt  }
0x5b: {  	_ =	shalt  }
0x5c: {  	_ =	shalt  }
0x5d: {  	_ =	shalt  }
0x5e: {  	_ =	shalt  }
0x5f: {  	_ =	shalt  }
0x60: {  	_ =	shalt  }
0x61: {  	_ =	shalt  }
0x62: {  	_ =	shalt  }
0x63: {  	_ =	shalt  }
0x64: {  	_ =	shalt  }
0x65: {  	_ =	shalt  }
0x66: {  	_ =	shalt  }
0x67: {  	_ =	shalt  }
0x68: {  	_ =	shalt  }
0x69: {  	_ =	shalt  }
0x6a: {  	_ =	shalt  }
0x6b: {  	_ =	shalt  }
0x6c: {  	_ =	shalt  }
0x6d: {  	_ =	shalt  }
0x6e: {  	_ =	shalt  }
0x6f: {  	_ =	shalt  }
0x70: {  	_ =	shalt  }
0x71: {  	_ =	shalt  }
0x72: {  	_ =	shalt  }
0x73: {  	_ =	shalt  }
0x74: {  	_ =	shalt  }
0x75: {  	_ =	shalt  }
0x76: {  	_ =	shalt  }
0x77: {  	_ =	shalt  }
0x78: {  	_ =	shalt  }
0x79: {  	_ =	shalt  }
0x7a: {  	_ =	shalt  }
0x7b: {  	_ =	shalt  }
0x7c: {  	_ =	shalt  }
0x7d: {  	_ =	shalt  }
0x7e: {  	_ =	shalt  }
0x7f: {  	_ =	shalt  }
0x80: {  	_ =	shalt  }
0x81: {  	_ =	shalt  }
0x82: {  	_ =	shalt  }
0x83: {  	_ =	shalt  }
0x84: {  	_ =	shalt  }
0x85: {  	_ =	shalt  }
0x86: {  	_ =	shalt  }
0x87: {  	_ =	shalt  }
.Lfunc_end0:
.L_simem_size_0:
called_computation_lowered:
.L_overlay_start_0:
0x88: {  	s2 =	sld [smem:$0x3FD9]  }
0x89: {  	s3 =	sld [smem:$0x3FFE];
	_ =	sdelay $0x1  }
0x8a: {  	s1 =	srdreg.scid  }
0x8b: {  	s0 =	sand.u32 $0x1, s1  }
0x8c: {  	s17 =	sshll.u32 s0, $0xA;
	s2 =	sadd.s32 s3, s2  }
0x8d: {  	s2 =	sadd.s32 s2, s17  }
0x8e: {  	[smem:$0x3FC0] =	sst s2  }
0x8f: {  	_ = 	snop  }
0x90: {  	s2 =	sld [smem:$0x3FD0];
	(tm) =	ssettm $0x1  }
0x91: {  	s18 =	sld [smem:$0x3FFB];
	_ =	sdelay $0x3  }
0x92: {  	_ =	strace s18  }
0x93: {  	s3 =	sld [smem:$0x3FFC];
	_ =	sdelay $0x3  }
0x94: {  	_ =	strace s3  }
0x95: {  	s3 =	sld [smem:$0x3FFD];
	_ =	sdelay $0x3  }
0x96: {  	_ =	strace s3  }
0x97: {  	_ =	strace $0x8FFFFFFF  }
0x98: {  	s19 =	sld [smem:$0x3FDB];
	_ =	sdelay $0x1  }
0x99: {  	s4 =	simm.s32 $_scs_section_size  }
0x9a: {  	s5 =	simm.s32 $_size__tile_overlayer_lowered;
	s6 =	simm.s32 $_tile_overlayer_lowered  }
0x9b: {  	s22 =	simm.s32 $0x1BFF;
	s21 =	sshll.u32 s6, $0x1;
	s3 =	sadd.s32 s4, s19  }
0x9c: {  	s7 =	simm.s32 $0x0;
	s20 =	sshll.u32 s5, $0x1;
	s5 =	sadd.s32 s21, s3  }
0x9d: {  	[timem:s7], [sflag:s22] =	dma.local [hbm:s5], s20  }
0x9e: {  	_ =	swait.ge [sflag:s22], s20  }
0x9f: {  	s4 =	ssub.s32 $0x0, s20;
	[sflag:s22] =	ssyncset.done $0x0  }
0xa0: {  	[sflag:s22] =	ssyncadd.s32 s4;
	_ =	sdelay $0x1  }
0xa1: {  	s23 =	simm.s32 $0x1B8B  }
0xa2: {  	_ =	swait.ge [sflag:s23], $0x1  }
0xa3: {  	[sflag:s23] =	ssyncset.done $0x0  }
0xa4: {  	s25 =	simm.s32 $0x1B8E;
	s24 =	sld [smem:$0x3FFE];
	[sflag:s23] =	ssyncadd.s32 $0xFFFFFFFF  }
0xa5: {  	s26 =	simm.s32 $execute0_lowered;
	[smem:$0x3FD2] =	sst s25  }
0xa6: {  	s5 =	sshll.u32 s26, $0x1;
	_ =	strace $0x80000046;
	[dreg:$0x1] =	wrdreg $0xFFFFFFFF  }
0xa7: {  	s28 =	simm.s32 $_size_execute0_lowered;
	s3 =	sadd.s32 s3, s5;
	[dreg:$0x0] =	wrdreg $0x0  }
0xa8: {  	s5 =	sshll.u32 s28, $0x1;
	[dreg:$0x2] =	wrdreg s3  }
0xa9: {  	[dreg:$0x3] =	wrdreg s5  }
0xaa: {  	[dreg:$0x4] =	wrdreg $0xC0  }
0xab: {  	_ =	task [dreg:s7], $0x5FFFF  }
0xac: {  	[dreg:$0x1] =	wrdreg $0xFFFFFFFF  }
0xad: {  	[dreg:$0x0] =	wrdreg $0x60  }
0xae: {  	[dreg:$0x2] =	wrdreg s2  }
0xaf: {  	[dreg:$0x3] =	wrdreg s24  }
0xb0: {  	[dreg:$0x4] =	wrdreg $0x9  }
0xb1: {  	_ =	task.clear_ibuf [dreg:s7], $0x5FFFF;
	_ =	strace $0x90000046  }
0xb2: {  	s29 =	simm.s32 $0x9;
	_ =	strace $0x80000048  }
0xb3: {  	_ =	swait.ge [sflag:s29], $0x1  }
0xb4: {  	[sflag:s29] =	ssyncadd.s32 $0xFFFFFFFF  }
0xb5: {  	_ =	strace $0x90000048  }
0xb6: {  	_ =	sfence  }
0xb7: {  	s30 =	sld [smem:$0x0];
	_ =	sdelay $0x2  }
0xb8: {  	s31 =	sshll.u32 s1, $0xD;
	s1 =	sshrl.u32 s1, $0x2  }
0xb9: {  	s3 =	sand.u32 $0x4000, s31;
	s1 =	sadd.s32 s1, s30  }
0xba: {  	s0 =	sor.u32 s3, s0;
	s1 =	sshll.u32 s1, $0x11  }
0xbb: {  	s0 =	sor.u32 s1, s0  }
0xbc: {  	s0 =	sadd.s32 $0x8F2B, s0  }
0xbd: {  	[sflag:s0] =	ssyncadd.remote.s32 $0x1  }
0xbe: {  	_ =	sfence.sel $0xFFFF  }
0xbf: {  	[dreg:$0x0] =	wrdreg $0xFFFFFFFF;
	(pc) =	sbr.abs _section_cstart, $3  }
0xc0: {  	[dreg:$0x1] =	wrdreg $0xFFFFFFFF  }
0xc1: {  	_ =	task.clear_ibuf [dreg:s7], $0x2FFFF;
	_ =	strace $0x9FFFFFFF  }
0xc2: {  	(tm) =	ssettm $0x7FFFFFFF  }
0xc3: {  	_ =	shalt  }
tec
execute0_lowered:
.L_overlay_start_1:
0x0: {  	(tag) =	ssettag $0x1  }
0x1: {  	s3 =	rddreg [dreg:$0x0];
	s1 =	srdreg.scid  }
0x2: {  	s0 =	stileid.u32;
	s6 =	rddreg [dreg:$0x1];
	s8 =	simm.s32 $0x1  }
0x3: {  	s9 =	simm.s32 $0x2800;
	s10 =	simm.s32 $0x0;
	s4 =	sand.u32 $0x1, s1  }
0x4: {  	s29 =	sshrl.u32 s0, $0x2;
	s2 =	sshll.u32 s0, $0x8;
	s1 =	rddreg [dreg:$0x2]  }
0x5: {  	s5 =	smul.u32 $0x14000, s29;
	s30 =	sshll.u32 s4, $0x7;
	s2 =	sand.u32 $0x300, s2  }
0x6: {  	s4 =	ssub.s32 $0x2, s4;
	s7 =	sor.u32 s30, s2;
	s2 =	simm.s32 $0x0  }
0x7: {  	s31 =	sshrl.u32 s4, $0x1;
	s5 =	sor.u32 s5, s7;
	[smem:$0x7FF] =	sst s2  }
0x8: {  	s7 =	ssub.s32 s4, s31;
	s5 =	sshrl.u32 s5, $0x3;
	_ =	strace $0x80000047  }
0x9: {  	s6 =	sadd.s32 s5, s6;
	s3 =	sadd.s32 s3, s5;
	s5 =	smax.u32 s7, $0x1  }
0xa: {  	v0 =	vimm.f32 $0.0e+00;
	v1 =	vimm.f32 $1.000000000e+00;
	s7 =	simm.s32 $0x400;
	s4 =	sadd.s32 $0xD400, s6;
	s6 =	simm.s32 $0x80  }
.LBB2_1:
0xb: {  	[tilespmem:s2], [sflag:$0x1] =	stream.strided.gather [hbm4b:s3+s6], $0x2800, s7, s6, $0x38;
	[tilespmem:$0x5000] =	vst v63  }
0xc: {  	_ =	swait.ge [sflag:s8], $0x2800  }
0xd: {  	[sflag:s8] =	ssyncset.done $0x0  }
0xe: {  	s11 =	simm.s32 $0x0;
	[sflag:s8] =	ssyncadd.s32 $0xFFFFD800  }
.LBB2_2:
0xf: {  	p0 =	sne.s32 s11, $0x9FC0  }
.Ltmp0:
0x10: {  	_ = 	snop;
	(pc) =	sbr.rel @p0 .LBB2_2-.Ltmp0, $3  }
0x11: {  	_ =	sdelay $0x1  }
0x12: {  	s12 =	sshra.s32 s11, $0x2  }
0x13: {  	s11 =	sadd.s32 $0x40, s11;
	[tilespmem:s12+$0x2800] =	vst v0  }
0x14: {  	s12 =	simm.s32 $0x0;
	s11 =	simm.s32 $0x40  }
.LBB2_4:
0x15: {  	p0 =	sne.s32 s11, $0x9FC0;
	v2 =	vld [tilespmem:s12+$0x0];
	_ =	sdelay $0x3  }
.Ltmp1:
0x16: {  	(pc) =	sbr.rel @p0 .LBB2_4-.Ltmp1, $2  }
0x17: {  	_ =	sdelay $0x2  }
0x18: {  	s12 =	sshra.s32 s11, $0x2;
	s11 =	sadd.s32 $0x40, s11;
	[tilespmem:v2+s9+$0x0] =	vst.idx.add.f32.msk $0xffff, v1  }
0x19: {  	v2 =	vld [tilespmem:s12+$0x0];
	_ =	sdelay $0x5  }
0x1a: {  	s10 =	sadd.s32 $0x1, s10  }
0x1b: {  	p0 =	sne.s32 s10, s5  }
.Ltmp2:
0x1c: {  	[tilespmem:v2+s9+$0x0] =	vst.idx.add.f32.msk $0xffff, v1;
	(pc) =	sbr.rel @p0 .LBB2_1-.Ltmp2, $4  }
0x1d: {  	[hbm4b:s4+s6] =	stream.strided.scatter [tilespmem:s9], [sflag:$0x1], $0x2800, s7, s6, $0x38;
	[tilespmem:$0x5000] =	vst v63  }
0x1e: {  	_ =	swait.ge [sflag:s8], $0x2800  }
0x1f: {  	[sflag:s8] =	ssyncset.done $0x0  }
0x20: {  	[sflag:s8] =	ssyncadd.s32 $0xFFFFD800  }
0x21: {  	_ =	sfence.sel $0x180000  }
0x22: {  	[bflag:$0x0] =	sbarrier.arrive $0xFFFF  }
0x23: {  	p0 =	sne.s32 s0, $0x0;
	_ =	strace $0x90000047  }
0x24: {  	s0 =	sadd.s32 @!p0 $0x100000, s1;
	[bflag:$0x2] =	sbarrier.arrive $0xFFFF  }
0x25: {  	[sflag:s0] =	ssyncadd.tile.s32 @!p0 $0x1;
	_ =	shalt  }
.Lfunc_end2:
_tile_overlayer_lowered:
.L_overlay_start_2:
0x26: {  	(tag) =	ssettag $0x2  }
0x27: {  	s0 =	rddreg [dreg:$0x0];
	s2 =	stileid.u32  }
0x28: {  	s1 =	rddreg [dreg:$0x1];
	p0 =	sne.s32 s2, $0x0  }
0x29: {  	s3 =	rddreg [dreg:$0x2];
	[bflag:$0x3] =	sbarrier.arrive $0xFFFF;
	s2 =	simm.s32 @!p0 $0x1C01  }
0x2a: {  	[timem:s3], [sflag:s2] =	dma.local @!p0 [hbm:s0], s1  }
0x2b: {  	s0 =	simm.s32 @!p0 $0x1  }
0x2c: {  	_ =	swait.ge @!p0 [sflag:s0], s1  }
0x2d: {  	s1 =	ssub.s32 @!p0 $0x0, s1;
	[sflag:s0] =	ssyncset.done @!p0 $0x0  }
0x2e: {  	[sflag:s0] =	ssyncadd.s32 @!p0 s1  }
0x2f: {  	[bflag:$0x3] =	sbarrier.arrive $0xFFFF  }
0x30: {  	_ =	shalt  }

// kernel: kernel.13.cloned.1.call-start
scs
__scs_entry_jumppad:
0x0: {  	(pc) =	sbr.rel $0x88, $3  }
0x1: {  	(tag) =	ssettag $0x0;
	lr =	simm.s32 $0x1  }
0x2: {  	[smem:$0x3F99] =	sst lr;
	_ =	strace $0xD0000000  }
0x3: {  	_ = 	snop  }
0x4: {  	_ = 	snop  }
0x5: {  	_ = 	snop  }
0x6: {  	_ = 	snop  }
0x7: {  	_ = 	snop  }
__scs_overlays_trampoline_lowered:
0x8: {  	[smem:$0x3FA8] =	sst s0  }
0x9: {  	[smem:$0x3FA9] =	sst s1  }
0xa: {  	[smem:$0x3FAA] =	sst s2  }
0xb: {  	[smem:$0x3FAB] =	sst s3  }
0xc: {  	[smem:$0x3FAC] =	sst s4  }
0xd: {  	[smem:$0x3FAD] =	sst s5  }
0xe: {  	[smem:$0x3FAE] =	sst s6  }
0xf: {  	[smem:$0x3FAF] =	sst s7  }
0x10: {  	[smem:$0x3FB0] =	sst s8  }
0x11: {  	[smem:$0x3FB1] =	sst s9;
	s0 =	simm.s32 @!p0 $0x0  }
0x12: {  	s1 =	sld [smem:$0x3F97];
	s0 =	simm.s32 @p0 $0x1  }
0x13: {  	[smem:$0x3FB2] =	sst s0;
	s0 =	simm.s32 @!p1 $0x0  }
0x14: {  	s2 =	sld [smem:$0x3F96];
	s0 =	simm.s32 @p1 $0x1  }
0x15: {  	[smem:$0x3FB3] =	sst s0;
	s0 =	simm.s32 @!p2 $0x0  }
0x16: {  	s3 =	sld [smem:$0x3FDB];
	s0 =	simm.s32 @p2 $0x1  }
0x17: {  	s4 =	simm.s32 $0x1BF5;
	[smem:$0x3FB5] =	sst s0  }
0x18: {  	s0 =	sld [smem:$0x3F98];
	_ =	swait.ge [sflag:s4], $0x0  }
0x19: {  	s7 =	sld [smem:$0x3F99]  }
0x1a: {  	s8 =	sadd.s32 $0xFFFFE003, lr  }
0x1b: {  	s9 =	sadd.s32 $0xFFFFFEF7, lr;
	s5 =	simm.s32 $0xFFFFFFFF;
	p2 =	slt.u32 s8, $0xFFFFF086  }
0x1c: {  	p1 =	slt.u32 s9, $0xF7A;
	s5 =	simm.s32 @!p2 $0x0  }
0x1d: {  	s5 =	simm.s32 @p1 $0x1;
	p0 =	seq.s32 s7, s2  }
0x1e: {  	s7 =	smul.u32 @!p0 $0xF7A, s2;
	p2 =	seq.s32 @!p0 s5, $0x0  }
0x1f: {  	s9 =	smul.u32 $0xF7A, s1;
	s8 =	simm.s32 @!p0 $0x1BF5;
	p2 =	por !p2, p0  }
0x20: {  	[sflag:s8] =	ssyncset.s32 @!p0 $0xFFFFF086;
	s6 =	sadd.s32 @!p0 s3, s7;
	s7 =	simm.s32 @!p0 $0x108  }
0x21: {  	s3 =	sadd.s32 s3, s9;
	s6 =	sadd.s32 @!p0 $0x88, s6;
	s7 =	simm.s32 @p2 $0x1082  }
0x22: {  	[simem:s7], [sflag:s8] =	dma.local @!p0 [hbm:s6], $0xF7A  }
0x23: {  	s9 =	sor.u32 $0xD0000000, s2;
	s6 =	simm.s32 $0x108;
	_ =	swait.ge @!p0 [sflag:s8], $0x0  }
0x24: {  	s3 =	sadd.s32 $0x88, s3;
	s6 =	simm.s32 @!p1 $0x1082;
	[sflag:s4] =	ssyncset.s32 $0xFFFFF086  }
0x25: {  	[simem:s6], [sflag:s4] =	dma.local [hbm:s3], $0xF7A  }
0x26: {  	[smem:$0x3F99] =	sst s1;
	(tag) =	ssettag s2;
	_ =	strace s9  }
0x27: {  	s1 =	sld [smem:$0x3FA9]  }
0x28: {  	s2 =	sld [smem:$0x3FAA]  }
0x29: {  	s4 =	sld [smem:$0x3FAC]  }
0x2a: {  	p0 =	seq.s32 s5, $0x0;
	s5 =	sld [smem:$0x3FAD]  }
0x2b: {  	s6 =	sld [smem:$0x3FAE]  }
0x2c: {  	s7 =	sld [smem:$0x3FAF]  }
0x2d: {  	s3 =	simm.s32 $0x108;
	s8 =	sld [smem:$0x3FB0]  }
0x2e: {  	s3 =	simm.s32 @!p0 $0x1082;
	s9 =	sld [smem:$0x3FB1]  }
0x2f: {  	lr =	sadd.s32 s0, s3;
	s0 =	sld [smem:$0x3FA8]  }
0x30: {  	s3 =	sld [smem:$0x3FAB]  }
0x31: {  	[smem:$0x3FB4] =	sst s10  }
0x32: {  	s10 =	sld [smem:$0x3FB2];
	_ =	sdelay $0x3  }
0x33: {  	p0 =	seq.s32 s10, $0x1;
	s10 =	sld [smem:$0x3FB4];
	_ =	sdelay $0x3  }
0x34: {  	[smem:$0x3FB4] =	sst s10  }
0x35: {  	s10 =	sld [smem:$0x3FB3];
	_ =	sdelay $0x3  }
0x36: {  	p1 =	seq.s32 s10, $0x1;
	s10 =	sld [smem:$0x3FB4];
	_ =	sdelay $0x3  }
0x37: {  	[smem:$0x3FB4] =	sst s10  }
0x38: {  	s10 =	sld [smem:$0x3FB5]  }
0x39: {  	_ = 	snop;
	(pc) =	sbr.ind lr, $3  }
0x3a: {  	_ = 	snop  }
0x3b: {  	_ = 	snop  }
0x3c: {  	p2 =	seq.s32 s10, $0x1;
	s10 =	sld [smem:$0x3FB4]  }
0x3d: {  	_ =	shalt  }
0x3e: {  	_ =	shalt  }
0x3f: {  	_ =	shalt  }
0x40: {  	_ =	shalt  }
0x41: {  	_ =	shalt  }
0x42: {  	_ =	shalt  }
0x43: {  	_ =	shalt  }
0x44: {  	_ =	shalt  }
0x45: {  	_ =	shalt  }
0x46: {  	_ =	shalt  }
0x47: {  	_ =	shalt  }
0x48: {  	_ =	shalt  }
0x49: {  	_ =	shalt  }
0x4a: {  	_ =	shalt  }
0x4b: {  	_ =	shalt  }
0x4c: {  	_ =	shalt  }
0x4d: {  	_ =	shalt  }
0x4e: {  	_ =	shalt  }
0x4f: {  	_ =	shalt  }
0x50: {  	_ =	shalt  }
0x51: {  	_ =	shalt  }
0x52: {  	_ =	shalt  }
0x53: {  	_ =	shalt  }
0x54: {  	_ =	shalt  }
0x55: {  	_ =	shalt  }
0x56: {  	_ =	shalt  }
0x57: {  	_ =	shalt  }
0x58: {  	_ =	shalt  }
0x59: {  	_ =	shalt  }
0x5a: {  	_ =	shalt  }
0x5b: {  	_ =	shalt  }
0x5c: {  	_ =	shalt  }
0x5d: {  	_ =	shalt  }
0x5e: {  	_ =	shalt  }
0x5f: {  	_ =	shalt  }
0x60: {  	_ =	shalt  }
0x61: {  	_ =	shalt  }
0x62: {  	_ =	shalt  }
0x63: {  	_ =	shalt  }
0x64: {  	_ =	shalt  }
0x65: {  	_ =	shalt  }
0x66: {  	_ =	shalt  }
0x67: {  	_ =	shalt  }
0x68: {  	_ =	shalt  }
0x69: {  	_ =	shalt  }
0x6a: {  	_ =	shalt  }
0x6b: {  	_ =	shalt  }
0x6c: {  	_ =	shalt  }
0x6d: {  	_ =	shalt  }
0x6e: {  	_ =	shalt  }
0x6f: {  	_ =	shalt  }
0x70: {  	_ =	shalt  }
0x71: {  	_ =	shalt  }
0x72: {  	_ =	shalt  }
0x73: {  	_ =	shalt  }
0x74: {  	_ =	shalt  }
0x75: {  	_ =	shalt  }
0x76: {  	_ =	shalt  }
0x77: {  	_ =	shalt  }
0x78: {  	_ =	shalt  }
0x79: {  	_ =	shalt  }
0x7a: {  	_ =	shalt  }
0x7b: {  	_ =	shalt  }
0x7c: {  	_ =	shalt  }
0x7d: {  	_ =	shalt  }
0x7e: {  	_ =	shalt  }
0x7f: {  	_ =	shalt  }
0x80: {  	_ =	shalt  }
0x81: {  	_ =	shalt  }
0x82: {  	_ =	shalt  }
0x83: {  	_ =	shalt  }
0x84: {  	_ =	shalt  }
0x85: {  	_ =	shalt  }
0x86: {  	_ =	shalt  }
0x87: {  	_ =	shalt  }
.Lfunc_end0:
.L_simem_size_0:
called_computation.1_lowered:
.L_overlay_start_0:
0x88: {  	s2 =	sld [smem:$0x3FD9]  }
0x89: {  	s3 =	sld [smem:$0x3FFE];
	_ =	sdelay $0x1  }
0x8a: {  	s1 =	srdreg.scid  }
0x8b: {  	s0 =	sand.u32 $0x1, s1  }
0x8c: {  	s17 =	sshll.u32 s0, $0xA;
	s2 =	sadd.s32 s3, s2  }
0x8d: {  	s2 =	sadd.s32 s2, s17  }
0x8e: {  	[smem:$0x3FC0] =	sst s2  }
0x8f: {  	_ = 	snop  }
0x90: {  	s2 =	sld [smem:$0x3FD0];
	(tm) =	ssettm $0x1  }
0x91: {  	s18 =	sld [smem:$0x3FFB];
	_ =	sdelay $0x3  }
0x92: {  	_ =	strace s18  }
0x93: {  	s3 =	sld [smem:$0x3FFC];
	_ =	sdelay $0x3  }
0x94: {  	_ =	strace s3  }
0x95: {  	s3 =	sld [smem:$0x3FFD];
	_ =	sdelay $0x3  }
0x96: {  	_ =	strace s3  }
0x97: {  	_ =	strace $0x8FFFFFFF  }
0x98: {  	s19 =	sld [smem:$0x3FDB];
	_ =	sdelay $0x1  }
0x99: {  	s4 =	simm.s32 $_scs_section_size  }
0x9a: {  	s5 =	simm.s32 $_size__tile_overlayer_lowered;
	s6 =	simm.s32 $_tile_overlayer_lowered  }
0x9b: {  	s22 =	simm.s32 $0x1BFF;
	s21 =	sshll.u32 s6, $0x1;
	s3 =	sadd.s32 s4, s19  }
0x9c: {  	s7 =	simm.s32 $0x0;
	s20 =	sshll.u32 s5, $0x1;
	s5 =	sadd.s32 s21, s3  }
0x9d: {  	[timem:s7], [sflag:s22] =	dma.local [hbm:s5], s20  }
0x9e: {  	_ =	swait.ge [sflag:s22], s20  }
0x9f: {  	s4 =	ssub.s32 $0x0, s20;
	[sflag:s22] =	ssyncset.done $0x0  }
0xa0: {  	[sflag:s22] =	ssyncadd.s32 s4;
	_ =	sdelay $0x1  }
0xa1: {  	s23 =	simm.s32 $0x1B8B  }
0xa2: {  	_ =	swait.ge [sflag:s23], $0x1  }
0xa3: {  	[sflag:s23] =	ssyncset.done $0x0  }
0xa4: {  	s25 =	simm.s32 $0x1B8E;
	s24 =	sld [smem:$0x3FFE];
	[sflag:s23] =	ssyncadd.s32 $0xFFFFFFFF  }
0xa5: {  	s26 =	simm.s32 $execute0_lowered;
	[smem:$0x3FD2] =	sst s25  }
0xa6: {  	s5 =	sshll.u32 s26, $0x1;
	_ =	strace $0x80000049;
	[dreg:$0x1] =	wrdreg $0xFFFFFFFF  }
0xa7: {  	s28 =	simm.s32 $_size_execute0_lowered;
	s3 =	sadd.s32 s3, s5;
	[dreg:$0x0] =	wrdreg $0x0  }
0xa8: {  	s5 =	sshll.u32 s28, $0x1;
	[dreg:$0x2] =	wrdreg s3  }
0xa9: {  	[dreg:$0x3] =	wrdreg s5  }
0xaa: {  	[dreg:$0x4] =	wrdreg $0xC0  }
0xab: {  	_ =	task [dreg:s7], $0x5FFFF  }
0xac: {  	[dreg:$0x1] =	wrdreg $0xFFFFFFFF  }
0xad: {  	[dreg:$0x0] =	wrdreg $0x60  }
0xae: {  	[dreg:$0x2] =	wrdreg s24  }
0xaf: {  	[dreg:$0x3] =	wrdreg s2  }
0xb0: {  	[dreg:$0x4] =	wrdreg $0xA8000  }
0xb1: {  	[dreg:$0x5] =	wrdreg $0x9  }
0xb2: {  	_ =	task.clear_ibuf [dreg:s7], $0x6FFFF;
	_ =	strace $0x90000049  }
0xb3: {  	s29 =	simm.s32 $0x9;
	_ =	strace $0x8000004B  }
0xb4: {  	_ =	swait.ge [sflag:s29], $0x1  }
0xb5: {  	[sflag:s29] =	ssyncadd.s32 $0xFFFFFFFF  }
0xb6: {  	_ =	strace $0x9000004B  }
0xb7: {  	_ =	sfence  }
0xb8: {  	s30 =	sld [smem:$0x0];
	_ =	sdelay $0x2  }
0xb9: {  	s31 =	sshll.u32 s1, $0xD;
	s1 =	sshrl.u32 s1, $0x2  }
0xba: {  	s3 =	sand.u32 $0x4000, s31;
	s1 =	sadd.s32 s1, s30  }
0xbb: {  	s0 =	sor.u32 s3, s0;
	s1 =	sshll.u32 s1, $0x11  }
0xbc: {  	s0 =	sor.u32 s1, s0  }
0xbd: {  	s0 =	sadd.s32 $0x8F2B, s0  }
0xbe: {  	[sflag:s0] =	ssyncadd.remote.s32 $0x1  }
0xbf: {  	_ =	sfence.sel $0xFFFF  }
0xc0: {  	[dreg:$0x0] =	wrdreg $0xFFFFFFFF;
	(pc) =	sbr.abs _section_cstart, $3  }
0xc1: {  	[dreg:$0x1] =	wrdreg $0xFFFFFFFF  }
0xc2: {  	_ =	task.clear_ibuf [dreg:s7], $0x2FFFF;
	_ =	strace $0x9FFFFFFF  }
0xc3: {  	(tm) =	ssettm $0x7FFFFFFF  }
tec
execute0_lowered:
.L_overlay_start_1:
0x0: {  	(tag) =	ssettag $0x1  }
0x1: {  	s8 =	rddreg [dreg:$0x0]  }
0x2: {  	s1 =	rddreg [dreg:$0x1]  }
0x3: {  	s2 =	rddreg [dreg:$0x2]  }
0x4: {  	s3 =	srdreg.scid;
	s0 =	rddreg [dreg:$0x3]  }
0x5: {  	s4 =	simm.s32 $0x0;
	s14 =	simm.s32 $0x1400;
	s15 =	simm.s32 $0x80  }
0x6: {  	s16 =	simm.s32 $0x2800;
	s17 =	simm.s32 $0x6800;
	s18 =	simm.s32 $0x1  }
0x7: {  	s19 =	simm.s32 $0x3;
	s20 =	simm.s32 $0x100;
	s21 =	simm.s32 $0x2  }
0x8: {  	s22 =	simm.s32 $0x1480;
	s23 =	simm.s32 $0x4;
	s24 =	simm.s32 $0x1380  }
0x9: {  	s25 =	simm.s32 $0x2700;
	s28 =	simm.s32 $0x0;
	s9 =	sand.u32 $0x1, s3  }
0xa: {  	s3 =	stileid.u32;
	[smem:$0x7FF] =	sst s4;
	s5 =	sadd.s32 $0x21400, s8  }
0xb: {  	s6 =	sadd.s32 $0x17400, s8;
	s7 =	sadd.s32 $0x3400, s8;
	s10 =	smul.u32 $0x140000, s9  }
0xc: {  	s11 =	smul.u32 $0x14000, s3;
	_ =	strace $0x8000004A;
	s26 =	ssub.s32 $0x2, s9  }
0xd: {  	s13 =	smul.u32 $0x50000, s3;
	s29 =	sshll.u32 s3, $0x1;
	s31 =	sshll.u32 s3, $0x6  }
0xe: {  	s12 =	sshrl.u32 s26, $0x1;
	s9 =	sor.u32 s9, s29;
	s10 =	sadd.s32 s11, s10  }
0xf: {  	s11 =	ssub.s32 s26, s12;
	s30 =	sshrl.u32 s13, $0x2;
	s9 =	smul.u32 $0x2800, s9  }
0x10: {  	s26 =	simm.s32 $0x2780;
	s10 =	sshrl.u32 s10, $0x3;
	s13 =	sadd.s32 s30, s2  }
0x11: {  	s11 =	smax.u32 s11, $0x1;
	s10 =	sadd.s32 s10, s8;
	s8 =	sor.u32 $0x1C05, s31  }
0x12: {  	s12 =	sshrl.u32 s13, $0x3;
	s13 =	simm.s32 $0x5;
	s10 =	sadd.s32 $0x49400, s10  }
.LBB2_1:
0x13: {  	[spmem:s12], [sflag:s8] =	dma.local [hbm:s1], $0x2800  }
0x14: {  	_ =	swait.ge [sflag:s13], $0x2800  }
0x15: {  	[sflag:s13] =	ssyncset.done $0x0  }
0x16: {  	[sflag:s13] =	ssyncadd.s32 $0xFFFFD800  }
0x17: {  	p1 =	por $0x1, $0x1;
	s29 =	simm.s32 $0x0;
	[bflag:$0x0] =	sbarrier.arrive $0xFFFF  }
.LBB2_2:
0x18: {  	s29 =	sadd.s32 s9, s29  }
0x19: {  	s29 =	sshrl.u32 s29, $0x3  }
0x1a: {  	s30 =	sadd.s32 s6, s29  }
0x1b: {  	[tilespmem:s4], [sflag:$0x5] =	stream.linear.gather [hbm4b:s30+s4], $0x1400, $0x38;
	[tilespmem:$0x1E800] =	vst v63  }
0x1c: {  	_ =	swait.ge [sflag:s13], $0x1400  }
0x1d: {  	[sflag:s13] =	ssyncset.done $0x0  }
0x1e: {  	s29 =	sadd.s32 s7, s29;
	[sflag:s13] =	ssyncadd.s32 $0xFFFFEC00  }
0x1f: {  	[tilespmem:s14], [sflag:$0x5] =	stream.linear.gather [hbm4b:s29+s4], $0x1400, $0x38;
	[tilespmem:$0x1E800] =	vst v63  }
0x20: {  	_ =	swait.ge [sflag:s13], $0x1400  }
0x21: {  	[sflag:s13] =	ssyncset.done $0x0  }
0x22: {  	[sflag:s13] =	ssyncadd.s32 $0xFFFFEC00  }
0x23: {  	[tilespmem:s16], [sflag:$0x1] =	stream.indirect.gather [hbm4b:s5+s15], $0x80, s4, s15, $0xb8;
	[tilespmem:$0x1E800] =	vst v63  }
0x24: {  	_ = 	snop  }
0x25: {  	[tilespmem:s17], [sflag:$0x2] =	stream.indirect.gather [hbm4b:s5+s15], $0x80, s15, s15, $0xb8;
	[tilespmem:$0x1E800] =	vst v63  }
0x26: {  	_ =	swait.ge [sflag:s18], $0x4000  }
0x27: {  	[sflag:s18] =	ssyncset.done $0x0  }
0x28: {  	[sflag:s18] =	ssyncadd.s32 $0xFFFFC000  }
0x29: {  	[spmem:s2] =	stream.indirect.scatter.add.f32 [tilespmem:s16], [sflag:$0x3], $0x80, s14, s15, $0xb8;
	[tilespmem:$0x1E800] =	vst v63  }
0x2a: {  	_ =	swait.ge [sflag:s19], $0x4000  }
0x2b: {  	[sflag:s19] =	ssyncset.done $0x0  }
0x2c: {  	[sflag:s19] =	ssyncadd.s32 $0xFFFFC000  }
0x2d: {  	[tilespmem:s16], [sflag:$0x1] =	stream.indirect.gather [hbm4b:s5+s15], $0x80, s20, s15, $0xb8;
	[tilespmem:$0x1E800] =	vst v63  }
0x2e: {  	_ =	swait.ge [sflag:s21], $0x4000  }
0x2f: {  	[sflag:s21] =	ssyncset.done $0x0  }
0x30: {  	[sflag:s21] =	ssyncadd.s32 $0xFFFFC000  }
0x31: {  	[spmem:s2] =	stream.indirect.scatter.add.f32 [tilespmem:s17], [sflag:$0x4], $0x80, s22, s15, $0xb8;
	[tilespmem:$0x1E800] =	vst v63  }
0x32: {  	_ =	swait.ge [sflag:s23], $0x4000  }
0x33: {  	[sflag:s23] =	ssyncset.done $0x0  }
0x34: {  	s29 =	simm.s32 $0x180;
	[sflag:s23] =	ssyncadd.s32 $0xFFFFC000  }
0x35: {  	[tilespmem:s17], [sflag:$0x2] =	stream.indirect.gather [hbm4b:s5+s15], $0x80, s29, s15, $0xb8;
	[tilespmem:$0x1E800] =	vst v63  }
0x36: {  	_ =	swait.ge [sflag:s18], $0x4000  }
0x37: {  	[sflag:s18] =	ssyncset.done $0x0  }
0x38: {  	s29 =	simm.s32 $0x1500;
	[sflag:s18] =	ssyncadd.s32 $0xFFFFC000  }
0x39: {  	[spmem:s2] =	stream.indirect.scatter.add.f32 [tilespmem:s16], [sflag:$0x3], $0x80, s29, s15, $0xb8;
	[tilespmem:$0x1E800] =	vst v63  }
0x3a: {  	_ =	swait.ge [sflag:s19], $0x4000  }
0x3b: {  	[sflag:s19] =	ssyncset.done $0x0  }
0x3c: {  	s29 =	simm.s32 $0x200;
	[sflag:s19] =	ssyncadd.s32 $0xFFFFC000  }
0x3d: {  	[tilespmem:s16], [sflag:$0x1] =	stream.indirect.gather [hbm4b:s5+s15], $0x80, s29, s15, $0xb8;
	[tilespmem:$0x1E800] =	vst v63  }
0x3e: {  	_ =	swait.ge [sflag:s21], $0x4000  }
0x3f: {  	p0 =	por p1, p1;
	[sflag:s21] =	ssyncset.done $0x0  }
0x40: {  	s30 =	simm.s32 $0x1580;
	s29 =	simm.s32 $0xFFFFBC00;
	[sflag:s21] =	ssyncadd.s32 $0xFFFFC000  }
.LBB2_3:
0x41: {  	[spmem:s2] =	stream.indirect.scatter.add.f32 [tilespmem:s17], [sflag:$0x4], $0x80, s30, s15, $0xb8;
	[tilespmem:$0x1E800] =	vst v63  }
0x42: {  	s30 =	smov.u32 s29  }
0x43: {  	p1 =	sne.s32 s29, $0xFFFFFC00;
	s29 =	sadd.s32 $0x400, s29;
	_ =	swait.ge [sflag:s23], $0x4000  }
0x44: {  	s30 =	sshra.s32 s30, $0x2;
	[sflag:s23] =	ssyncset.done $0x0  }
0x45: {  	s31 =	sadd.s32 $0x1380, s30;
	[sflag:s23] =	ssyncadd.s32 $0xFFFFC000  }
0x46: {  	[tilespmem:s17], [sflag:$0x2] =	stream.indirect.gather [hbm4b:s5+s15], $0x80, s31, s15, $0xb8;
	[tilespmem:$0x1E800] =	vst v63  }
0x47: {  	_ =	swait.ge [sflag:s18], $0x4000  }
0x48: {  	[sflag:s18] =	ssyncset.done $0x0  }
0x49: {  	s31 =	sadd.s32 $0x2700, s30;
	[sflag:s18] =	ssyncadd.s32 $0xFFFFC000  }
0x4a: {  	[spmem:s2] =	stream.indirect.scatter.add.f32 [tilespmem:s16], [sflag:$0x3], $0x80, s31, s15, $0xb8;
	[tilespmem:$0x1E800] =	vst v63  }
0x4b: {  	_ =	swait.ge [sflag:s19], $0x4000  }
0x4c: {  	[sflag:s19] =	ssyncset.done $0x0  }
.Ltmp0:
0x4d: {  	s31 =	sadd.s32 $0x1400, s30;
	[sflag:s19] =	ssyncadd.s32 $0xFFFFC000;
	(pc) =	sbr.rel @p1 .LBB2_3-.Ltmp0, $4  }
0x4e: {  	[tilespmem:s16], [sflag:$0x1] =	stream.indirect.gather [hbm4b:s5+s15], $0x80, s31, s15, $0xb8;
	[tilespmem:$0x1E800] =	vst v63  }
0x4f: {  	_ =	swait.ge [sflag:s21], $0x4000  }
0x50: {  	[sflag:s21] =	ssyncset.done $0x0  }
0x51: {  	s30 =	sadd.s32 $0x2780, s30;
	[sflag:s21] =	ssyncadd.s32 $0xFFFFC000  }
0x52: {  	[spmem:s2] =	stream.indirect.scatter.add.f32 [tilespmem:s17], [sflag:$0x4], $0x80, s30, s15, $0xb8;
	[tilespmem:$0x1E800] =	vst v63  }
0x53: {  	_ =	swait.ge [sflag:s23], $0x4000  }
0x54: {  	[sflag:s23] =	ssyncset.done $0x0  }
0x55: {  	[sflag:s23] =	ssyncadd.s32 $0xFFFFC000  }
0x56: {  	[tilespmem:s17], [sflag:$0x2] =	stream.indirect.gather [hbm4b:s5+s15], $0x80, s24, s15, $0xb8;
	[tilespmem:$0x1E800] =	vst v63  }
0x57: {  	_ =	swait.ge [sflag:s18], $0x4000  }
0x58: {  	[sflag:s18] =	ssyncset.done $0x0  }
0x59: {  	[sflag:s18] =	ssyncadd.s32 $0xFFFFC000  }
0x5a: {  	[spmem:s2] =	stream.indirect.scatter.add.f32 [tilespmem:s16], [sflag:$0x3], $0x80, s25, s15, $0xb8;
	[tilespmem:$0x1E800] =	vst v63  }
0x5b: {  	_ =	swait.ge [sflag:s19], $0x4000  }
0x5c: {  	[sflag:s19] =	ssyncset.done $0x0  }
0x5d: {  	[sflag:s19] =	ssyncadd.s32 $0xFFFFC000  }
0x5e: {  	_ =	swait.ge [sflag:s21], $0x4000  }
0x5f: {  	[sflag:s21] =	ssyncset.done $0x0  }
.Ltmp1:
0x60: {  	[sflag:s21] =	ssyncadd.s32 $0xFFFFC000;
	(pc) =	sbr.rel @p0 .LBB2_2-.Ltmp1, $4  }
0x61: {  	[spmem:s2] =	stream.indirect.scatter.add.f32 [tilespmem:s17], [sflag:$0x4], $0x80, s26, s15, $0xb8;
	[tilespmem:$0x1E800] =	vst v63  }
0x62: {  	_ =	swait.ge [sflag:s23], $0x4000  }
0x63: {  	[sflag:s23] =	ssyncset.done $0x0  }
0x64: {  	s29 =	simm.s32 $0x1400;
	p1 =	por $0x0, $0x0;
	[sflag:s23] =	ssyncadd.s32 $0xFFFFC000  }
0x65: {  	s28 =	sadd.s32 $0x1, s28  }
0x66: {  	p0 =	sne.s32 s28, s11  }
.Ltmp2:
0x67: {  	[bflag:$0x0] =	sbarrier.arrive $0xFFFF;
	(pc) =	sbr.rel @p0 .LBB2_1-.Ltmp2, $4  }
0x68: {  	[hbm:s10], [sflag:s8] =	dma.local [spmem:s12], $0x2800  }
0x69: {  	_ =	swait.ge [sflag:s13], $0x2800  }
0x6a: {  	[sflag:s13] =	ssyncset.done $0x0  }
0x6b: {  	[sflag:s13] =	ssyncadd.s32 $0xFFFFD800  }
0x6c: {  	_ =	sfence.sel $0x180000  }
0x6d: {  	[bflag:$0x0] =	sbarrier.arrive $0xFFFF  }
0x6e: {  	p0 =	sne.s32 s3, $0x0;
	_ =	strace $0x9000004A  }
0x6f: {  	s0 =	sadd.s32 @!p0 $0x100000, s0;
	[bflag:$0x2] =	sbarrier.arrive $0xFFFF  }
0x70: {  	[sflag:s0] =	ssyncadd.tile.s32 @!p0 $0x1;
	_ =	shalt  }
.Lfunc_end2:
_tile_overlayer_lowered:
.L_overlay_start_2:
0x71: {  	(tag) =	ssettag $0x2  }
0x72: {  	s0 =	rddreg [dreg:$0x0];
	s2 =	stileid.u32  }
0x73: {  	s1 =	rddreg [dreg:$0x1];
	p0 =	sne.s32 s2, $0x0  }
0x74: {  	s3 =	rddreg [dreg:$0x2];
	[bflag:$0x3] =	sbarrier.arrive $0xFFFF;
	s2 =	simm.s32 @!p0 $0x1C05  }
0x75: {  	[timem:s3], [sflag:s2] =	dma.local @!p0 [hbm:s0], s1  }
0x76: {  	s0 =	simm.s32 @!p0 $0x5  }
0x77: {  	_ =	swait.ge @!p0 [sflag:s0], s1  }
0x78: {  	s1 =	ssub.s32 @!p0 $0x0, s1;
	[sflag:s0] =	ssyncset.done @!p0 $0x0  }
0x79: {  	[sflag:s0] =	ssyncadd.s32 @!p0 s1  }
0x7a: {  	[bflag:$0x3] =	sbarrier.arrive $0xFFFF  }
0x7b: {  	_ =	shalt  }

// kernel: kernel.16.cloned.1.call-start
scs
__scs_entry_jumppad:
0x0: {  	(pc) =	sbr.rel $0x88, $3  }
0x1: {  	(tag) =	ssettag $0x0;
	lr =	simm.s32 $0x1  }
0x2: {  	[smem:$0x3F99] =	sst lr;
	_ =	strace $0xD0000000  }
0x3: {  	_ = 	snop  }
0x4: {  	_ = 	snop  }
0x5: {  	_ = 	snop  }
0x6: {  	_ = 	snop  }
0x7: {  	_ = 	snop  }
__scs_overlays_trampoline_lowered:
0x8: {  	[smem:$0x3FA8] =	sst s0  }
0x9: {  	[smem:$0x3FA9] =	sst s1  }
0xa: {  	[smem:$0x3FAA] =	sst s2  }
0xb: {  	[smem:$0x3FAB] =	sst s3  }
0xc: {  	[smem:$0x3FAC] =	sst s4  }
0xd: {  	[smem:$0x3FAD] =	sst s5  }
0xe: {  	[smem:$0x3FAE] =	sst s6  }
0xf: {  	[smem:$0x3FAF] =	sst s7  }
0x10: {  	[smem:$0x3FB0] =	sst s8  }
0x11: {  	[smem:$0x3FB1] =	sst s9;
	s0 =	simm.s32 @!p0 $0x0  }
0x12: {  	s1 =	sld [smem:$0x3F97];
	s0 =	simm.s32 @p0 $0x1  }
0x13: {  	[smem:$0x3FB2] =	sst s0;
	s0 =	simm.s32 @!p1 $0x0  }
0x14: {  	s2 =	sld [smem:$0x3F96];
	s0 =	simm.s32 @p1 $0x1  }
0x15: {  	[smem:$0x3FB3] =	sst s0;
	s0 =	simm.s32 @!p2 $0x0  }
0x16: {  	s3 =	sld [smem:$0x3FDB];
	s0 =	simm.s32 @p2 $0x1  }
0x17: {  	s4 =	simm.s32 $0x1BF5;
	[smem:$0x3FB5] =	sst s0  }
0x18: {  	s0 =	sld [smem:$0x3F98];
	_ =	swait.ge [sflag:s4], $0x0  }
0x19: {  	s7 =	sld [smem:$0x3F99]  }
0x1a: {  	s8 =	sadd.s32 $0xFFFFE003, lr  }
0x1b: {  	s9 =	sadd.s32 $0xFFFFFEF7, lr;
	s5 =	simm.s32 $0xFFFFFFFF;
	p2 =	slt.u32 s8, $0xFFFFF086  }
0x1c: {  	p1 =	slt.u32 s9, $0xF7A;
	s5 =	simm.s32 @!p2 $0x0  }
0x1d: {  	s5 =	simm.s32 @p1 $0x1;
	p0 =	seq.s32 s7, s2  }
0x1e: {  	s7 =	smul.u32 @!p0 $0xF7A, s2;
	p2 =	seq.s32 @!p0 s5, $0x0  }
0x1f: {  	s9 =	smul.u32 $0xF7A, s1;
	s8 =	simm.s32 @!p0 $0x1BF5;
	p2 =	por !p2, p0  }
0x20: {  	[sflag:s8] =	ssyncset.s32 @!p0 $0xFFFFF086;
	s6 =	sadd.s32 @!p0 s3, s7;
	s7 =	simm.s32 @!p0 $0x108  }
0x21: {  	s3 =	sadd.s32 s3, s9;
	s6 =	sadd.s32 @!p0 $0x88, s6;
	s7 =	simm.s32 @p2 $0x1082  }
0x22: {  	[simem:s7], [sflag:s8] =	dma.local @!p0 [hbm:s6], $0xF7A  }
0x23: {  	s9 =	sor.u32 $0xD0000000, s2;
	s6 =	simm.s32 $0x108;
	_ =	swait.ge @!p0 [sflag:s8], $0x0  }
0x24: {  	s3 =	sadd.s32 $0x88, s3;
	s6 =	simm.s32 @!p1 $0x1082;
	[sflag:s4] =	ssyncset.s32 $0xFFFFF086  }
0x25: {  	[simem:s6], [sflag:s4] =	dma.local [hbm:s3], $0xF7A  }
0x26: {  	[smem:$0x3F99] =	sst s1;
	(tag) =	ssettag s2;
	_ =	strace s9  }
0x27: {  	s1 =	sld [smem:$0x3FA9]  }
0x28: {  	s2 =	sld [smem:$0x3FAA]  }
0x29: {  	s4 =	sld [smem:$0x3FAC]  }
0x2a: {  	p0 =	seq.s32 s5, $0x0;
	s5 =	sld [smem:$0x3FAD]  }
0x2b: {  	s6 =	sld [smem:$0x3FAE]  }
0x2c: {  	s7 =	sld [smem:$0x3FAF]  }
0x2d: {  	s3 =	simm.s32 $0x108;
	s8 =	sld [smem:$0x3FB0]  }
0x2e: {  	s3 =	simm.s32 @!p0 $0x1082;
	s9 =	sld [smem:$0x3FB1]  }
0x2f: {  	lr =	sadd.s32 s0, s3;
	s0 =	sld [smem:$0x3FA8]  }
0x30: {  	s3 =	sld [smem:$0x3FAB]  }
0x31: {  	[smem:$0x3FB4] =	sst s10  }
0x32: {  	s10 =	sld [smem:$0x3FB2];
	_ =	sdelay $0x3  }
0x33: {  	p0 =	seq.s32 s10, $0x1;
	s10 =	sld [smem:$0x3FB4];
	_ =	sdelay $0x3  }
0x34: {  	[smem:$0x3FB4] =	sst s10  }
0x35: {  	s10 =	sld [smem:$0x3FB3];
	_ =	sdelay $0x3  }
0x36: {  	p1 =	seq.s32 s10, $0x1;
	s10 =	sld [smem:$0x3FB4];
	_ =	sdelay $0x3  }
0x37: {  	[smem:$0x3FB4] =	sst s10  }
0x38: {  	s10 =	sld [smem:$0x3FB5]  }
0x39: {  	_ = 	snop;
	(pc) =	sbr.ind lr, $3  }
0x3a: {  	_ = 	snop  }
0x3b: {  	_ = 	snop  }
0x3c: {  	p2 =	seq.s32 s10, $0x1;
	s10 =	sld [smem:$0x3FB4]  }
0x3d: {  	_ =	shalt  }
0x3e: {  	_ =	shalt  }
0x3f: {  	_ =	shalt  }
0x40: {  	_ =	shalt  }
0x41: {  	_ =	shalt  }
0x42: {  	_ =	shalt  }
0x43: {  	_ =	shalt  }
0x44: {  	_ =	shalt  }
0x45: {  	_ =	shalt  }
0x46: {  	_ =	shalt  }
0x47: {  	_ =	shalt  }
0x48: {  	_ =	shalt  }
0x49: {  	_ =	shalt  }
0x4a: {  	_ =	shalt  }
0x4b: {  	_ =	shalt  }
0x4c: {  	_ =	shalt  }
0x4d: {  	_ =	shalt  }
0x4e: {  	_ =	shalt  }
0x4f: {  	_ =	shalt  }
0x50: {  	_ =	shalt  }
0x51: {  	_ =	shalt  }
0x52: {  	_ =	shalt  }
0x53: {  	_ =	shalt  }
0x54: {  	_ =	shalt  }
0x55: {  	_ =	shalt  }
0x56: {  	_ =	shalt  }
0x57: {  	_ =	shalt  }
0x58: {  	_ =	shalt  }
0x59: {  	_ =	shalt  }
0x5a: {  	_ =	shalt  }
0x5b: {  	_ =	shalt  }
0x5c: {  	_ =	shalt  }
0x5d: {  	_ =	shalt  }
0x5e: {  	_ =	shalt  }
0x5f: {  	_ =	shalt  }
0x60: {  	_ =	shalt  }
0x61: {  	_ =	shalt  }
0x62: {  	_ =	shalt  }
0x63: {  	_ =	shalt  }
0x64: {  	_ =	shalt  }
0x65: {  	_ =	shalt  }
0x66: {  	_ =	shalt  }
0x67: {  	_ =	shalt  }
0x68: {  	_ =	shalt  }
0x69: {  	_ =	shalt  }
0x6a: {  	_ =	shalt  }
0x6b: {  	_ =	shalt  }
0x6c: {  	_ =	shalt  }
0x6d: {  	_ =	shalt  }
0x6e: {  	_ =	shalt  }
0x6f: {  	_ =	shalt  }
0x70: {  	_ =	shalt  }
0x71: {  	_ =	shalt  }
0x72: {  	_ =	shalt  }
0x73: {  	_ =	shalt  }
0x74: {  	_ =	shalt  }
0x75: {  	_ =	shalt  }
0x76: {  	_ =	shalt  }
0x77: {  	_ =	shalt  }
0x78: {  	_ =	shalt  }
0x79: {  	_ =	shalt  }
0x7a: {  	_ =	shalt  }
0x7b: {  	_ =	shalt  }
0x7c: {  	_ =	shalt  }
0x7d: {  	_ =	shalt  }
0x7e: {  	_ =	shalt  }
0x7f: {  	_ =	shalt  }
0x80: {  	_ =	shalt  }
0x81: {  	_ =	shalt  }
0x82: {  	_ =	shalt  }
0x83: {  	_ =	shalt  }
0x84: {  	_ =	shalt  }
0x85: {  	_ =	shalt  }
0x86: {  	_ =	shalt  }
0x87: {  	_ =	shalt  }
.Lfunc_end0:
.L_simem_size_0:
called_computation.2_lowered:
.L_overlay_start_0:
0x88: {  	s2 =	sld [smem:$0x3FD9]  }
0x89: {  	s3 =	sld [smem:$0x3FFE];
	_ =	sdelay $0x1  }
0x8a: {  	s1 =	srdreg.scid  }
0x8b: {  	s0 =	sand.u32 $0x1, s1  }
0x8c: {  	s17 =	sshll.u32 s0, $0xA;
	s2 =	sadd.s32 s3, s2  }
0x8d: {  	s2 =	sadd.s32 s2, s17  }
0x8e: {  	[smem:$0x3FC0] =	sst s2  }
0x8f: {  	_ = 	snop  }
0x90: {  	s2 =	sld [smem:$0x3FD0];
	(tm) =	ssettm $0x1  }
0x91: {  	s18 =	sld [smem:$0x3FFB];
	_ =	sdelay $0x3  }
0x92: {  	_ =	strace s18  }
0x93: {  	s3 =	sld [smem:$0x3FFC];
	_ =	sdelay $0x3  }
0x94: {  	_ =	strace s3  }
0x95: {  	s3 =	sld [smem:$0x3FFD];
	_ =	sdelay $0x3  }
0x96: {  	_ =	strace s3  }
0x97: {  	_ =	strace $0x8FFFFFFF  }
0x98: {  	s19 =	sld [smem:$0x3FDB];
	_ =	sdelay $0x1  }
0x99: {  	s4 =	simm.s32 $_scs_section_size  }
0x9a: {  	s5 =	simm.s32 $_size__tile_overlayer_lowered;
	s6 =	simm.s32 $_tile_overlayer_lowered  }
0x9b: {  	s22 =	simm.s32 $0x1BFF;
	s21 =	sshll.u32 s6, $0x1;
	s3 =	sadd.s32 s4, s19  }
0x9c: {  	s7 =	simm.s32 $0x0;
	s20 =	sshll.u32 s5, $0x1;
	s5 =	sadd.s32 s21, s3  }
0x9d: {  	[timem:s7], [sflag:s22] =	dma.local [hbm:s5], s20  }
0x9e: {  	_ =	swait.ge [sflag:s22], s20  }
0x9f: {  	s4 =	ssub.s32 $0x0, s20;
	[sflag:s22] =	ssyncset.done $0x0  }
0xa0: {  	[sflag:s22] =	ssyncadd.s32 s4;
	_ =	sdelay $0x1  }
0xa1: {  	s23 =	simm.s32 $0x1B8B  }
0xa2: {  	_ =	swait.ge [sflag:s23], $0x1  }
0xa3: {  	[sflag:s23] =	ssyncset.done $0x0  }
0xa4: {  	s25 =	simm.s32 $0x1B8E;
	s24 =	sld [smem:$0x3FFE];
	[sflag:s23] =	ssyncadd.s32 $0xFFFFFFFF  }
0xa5: {  	s26 =	simm.s32 $execute0_lowered;
	[smem:$0x3FD2] =	sst s25  }
0xa6: {  	s5 =	sshll.u32 s26, $0x1;
	_ =	strace $0x8000004C;
	[dreg:$0x1] =	wrdreg $0xFFFFFFFF  }
0xa7: {  	s28 =	simm.s32 $_size_execute0_lowered;
	s3 =	sadd.s32 s3, s5;
	[dreg:$0x0] =	wrdreg $0x0  }
0xa8: {  	s5 =	sshll.u32 s28, $0x1;
	[dreg:$0x2] =	wrdreg s3  }
0xa9: {  	[dreg:$0x3] =	wrdreg s5  }
0xaa: {  	[dreg:$0x4] =	wrdreg $0xC0  }
0xab: {  	_ =	task [dreg:s7], $0x5FFFF  }
0xac: {  	[dreg:$0x1] =	wrdreg $0xFFFFFFFF  }
0xad: {  	[dreg:$0x0] =	wrdreg $0x60  }
0xae: {  	[dreg:$0x2] =	wrdreg s24  }
0xaf: {  	[dreg:$0x3] =	wrdreg s2  }
0xb0: {  	[dreg:$0x4] =	wrdreg $0xA8000  }
0xb1: {  	[dreg:$0x5] =	wrdreg $0x9  }
0xb2: {  	_ =	task.clear_ibuf [dreg:s7], $0x6FFFF;
	_ =	strace $0x9000004C  }
0xb3: {  	s29 =	simm.s32 $0x9;
	_ =	strace $0x8000004E  }
0xb4: {  	_ =	swait.ge [sflag:s29], $0x1  }
0xb5: {  	[sflag:s29] =	ssyncadd.s32 $0xFFFFFFFF  }
0xb6: {  	_ =	strace $0x9000004E  }
0xb7: {  	_ =	sfence  }
0xb8: {  	s30 =	sld [smem:$0x0];
	_ =	sdelay $0x2  }
0xb9: {  	s31 =	sshll.u32 s1, $0xD;
	s1 =	sshrl.u32 s1, $0x2  }
0xba: {  	s3 =	sand.u32 $0x4000, s31;
	s1 =	sadd.s32 s1, s30  }
0xbb: {  	s0 =	sor.u32 s3, s0;
	s1 =	sshll.u32 s1, $0x11  }
0xbc: {  	s0 =	sor.u32 s1, s0  }
0xbd: {  	s0 =	sadd.s32 $0x8F2B, s0  }
0xbe: {  	[sflag:s0] =	ssyncadd.remote.s32 $0x1  }
0xbf: {  	_ =	sfence.sel $0xFFFF  }
0xc0: {  	[dreg:$0x0] =	wrdreg $0xFFFFFFFF;
	(pc) =	sbr.abs _section_cstart, $3  }
0xc1: {  	[dreg:$0x1] =	wrdreg $0xFFFFFFFF  }
0xc2: {  	_ =	task.clear_ibuf [dreg:s7], $0x2FFFF;
	_ =	strace $0x9FFFFFFF  }
0xc3: {  	(tm) =	ssettm $0x7FFFFFFF  }
tec
execute0_lowered:
.L_overlay_start_1:
0x0: {  	(tag) =	ssettag $0x1  }
0x1: {  	s8 =	rddreg [dreg:$0x0]  }
0x2: {  	s1 =	rddreg [dreg:$0x1]  }
0x3: {  	s2 =	rddreg [dreg:$0x2]  }
0x4: {  	s3 =	srdreg.scid;
	s0 =	rddreg [dreg:$0x3]  }
0x5: {  	s4 =	simm.s32 $0x0;
	s14 =	simm.s32 $0x1400;
	s15 =	simm.s32 $0x80  }
0x6: {  	s16 =	simm.s32 $0x2800;
	s17 =	simm.s32 $0x6800;
	s18 =	simm.s32 $0x1  }
0x7: {  	s19 =	simm.s32 $0x3;
	s20 =	simm.s32 $0x100;
	s21 =	simm.s32 $0x2  }
0x8: {  	s22 =	simm.s32 $0x1480;
	s23 =	simm.s32 $0x4;
	s24 =	simm.s32 $0x1380  }
0x9: {  	s25 =	simm.s32 $0x2700;
	s28 =	simm.s32 $0x0;
	s9 =	sand.u32 $0x1, s3  }
0xa: {  	s3 =	stileid.u32;
	[smem:$0x7FF] =	sst s4;
	s5 =	sadd.s32 $0x21400, s8  }
0xb: {  	s6 =	sadd.s32 $0x17400, s8;
	s7 =	sadd.s32 $0x3400, s8;
	s10 =	smul.u32 $0x140000, s9  }
0xc: {  	s11 =	smul.u32 $0x14000, s3;
	_ =	strace $0x8000004D;
	s26 =	ssub.s32 $0x2, s9  }
0xd: {  	s13 =	smul.u32 $0x50000, s3;
	s29 =	sshll.u32 s3, $0x1;
	s31 =	sshll.u32 s3, $0x6  }
0xe: {  	s12 =	sshrl.u32 s26, $0x1;
	s9 =	sor.u32 s9, s29;
	s10 =	sadd.s32 s11, s10  }
0xf: {  	s11 =	ssub.s32 s26, s12;
	s30 =	sshrl.u32 s13, $0x2;
	s9 =	smul.u32 $0x2800, s9  }
0x10: {  	s26 =	simm.s32 $0x2780;
	s10 =	sshrl.u32 s10, $0x3;
	s13 =	sadd.s32 s30, s2  }
0x11: {  	s11 =	smax.u32 s11, $0x1;
	s10 =	sadd.s32 s10, s8;
	s8 =	sor.u32 $0x1C05, s31  }
0x12: {  	s12 =	sshrl.u32 s13, $0x3;
	s13 =	simm.s32 $0x5;
	s10 =	sadd.s32 $0x49400, s10  }
.LBB2_1:
0x13: {  	[spmem:s12], [sflag:s8] =	dma.local [hbm:s1], $0x2800  }
0x14: {  	_ =	swait.ge [sflag:s13], $0x2800  }
0x15: {  	[sflag:s13] =	ssyncset.done $0x0  }
0x16: {  	[sflag:s13] =	ssyncadd.s32 $0xFFFFD800  }
0x17: {  	p1 =	por $0x1, $0x1;
	s29 =	simm.s32 $0x0;
	[bflag:$0x0] =	sbarrier.arrive $0xFFFF  }
.LBB2_2:
0x18: {  	s29 =	sadd.s32 s9, s29  }
0x19: {  	s29 =	sshrl.u32 s29, $0x3  }
0x1a: {  	s30 =	sadd.s32 s6, s29  }
0x1b: {  	[tilespmem:s4], [sflag:$0x5] =	stream.linear.gather [hbm4b:s30+s4], $0x1400, $0x38;
	[tilespmem:$0x1E800] =	vst v63  }
0x1c: {  	_ =	swait.ge [sflag:s13], $0x1400  }
0x1d: {  	[sflag:s13] =	ssyncset.done $0x0  }
0x1e: {  	s29 =	sadd.s32 s7, s29;
	[sflag:s13] =	ssyncadd.s32 $0xFFFFEC00  }
0x1f: {  	[tilespmem:s14], [sflag:$0x5] =	stream.linear.gather [hbm4b:s29+s4], $0x1400, $0x38;
	[tilespmem:$0x1E800] =	vst v63  }
0x20: {  	_ =	swait.ge [sflag:s13], $0x1400  }
0x21: {  	[sflag:s13] =	ssyncset.done $0x0  }
0x22: {  	[sflag:s13] =	ssyncadd.s32 $0xFFFFEC00  }
0x23: {  	[tilespmem:s16], [sflag:$0x1] =	stream.indirect.gather [hbm4b:s5+s15], $0x80, s4, s15, $0xb8;
	[tilespmem:$0x1E800] =	vst v63  }
0x24: {  	_ = 	snop  }
0x25: {  	[tilespmem:s17], [sflag:$0x2] =	stream.indirect.gather [hbm4b:s5+s15], $0x80, s15, s15, $0xb8;
	[tilespmem:$0x1E800] =	vst v63  }
0x26: {  	_ =	swait.ge [sflag:s18], $0x4000  }
0x27: {  	[sflag:s18] =	ssyncset.done $0x0  }
0x28: {  	[sflag:s18] =	ssyncadd.s32 $0xFFFFC000  }
0x29: {  	[spmem:s2] =	stream.indirect.scatter.add.f32 [tilespmem:s16], [sflag:$0x3], $0x80, s14, s15, $0xb8;
	[tilespmem:$0x1E800] =	vst v63  }
0x2a: {  	_ =	swait.ge [sflag:s19], $0x4000  }
0x2b: {  	[sflag:s19] =	ssyncset.done $0x0  }
0x2c: {  	[sflag:s19] =	ssyncadd.s32 $0xFFFFC000  }
0x2d: {  	[tilespmem:s16], [sflag:$0x1] =	stream.indirect.gather [hbm4b:s5+s15], $0x80, s20, s15, $0xb8;
	[tilespmem:$0x1E800] =	vst v63  }
0x2e: {  	_ =	swait.ge [sflag:s21], $0x4000  }
0x2f: {  	[sflag:s21] =	ssyncset.done $0x0  }
0x30: {  	[sflag:s21] =	ssyncadd.s32 $0xFFFFC000  }
0x31: {  	[spmem:s2] =	stream.indirect.scatter.add.f32 [tilespmem:s17], [sflag:$0x4], $0x80, s22, s15, $0xb8;
	[tilespmem:$0x1E800] =	vst v63  }
0x32: {  	_ =	swait.ge [sflag:s23], $0x4000  }
0x33: {  	[sflag:s23] =	ssyncset.done $0x0  }
0x34: {  	s29 =	simm.s32 $0x180;
	[sflag:s23] =	ssyncadd.s32 $0xFFFFC000  }
0x35: {  	[tilespmem:s17], [sflag:$0x2] =	stream.indirect.gather [hbm4b:s5+s15], $0x80, s29, s15, $0xb8;
	[tilespmem:$0x1E800] =	vst v63  }
0x36: {  	_ =	swait.ge [sflag:s18], $0x4000  }
0x37: {  	[sflag:s18] =	ssyncset.done $0x0  }
0x38: {  	s29 =	simm.s32 $0x1500;
	[sflag:s18] =	ssyncadd.s32 $0xFFFFC000  }
0x39: {  	[spmem:s2] =	stream.indirect.scatter.add.f32 [tilespmem:s16], [sflag:$0x3], $0x80, s29, s15, $0xb8;
	[tilespmem:$0x1E800] =	vst v63  }
0x3a: {  	_ =	swait.ge [sflag:s19], $0x4000  }
0x3b: {  	[sflag:s19] =	ssyncset.done $0x0  }
0x3c: {  	s29 =	simm.s32 $0x200;
	[sflag:s19] =	ssyncadd.s32 $0xFFFFC000  }
0x3d: {  	[tilespmem:s16], [sflag:$0x1] =	stream.indirect.gather [hbm4b:s5+s15], $0x80, s29, s15, $0xb8;
	[tilespmem:$0x1E800] =	vst v63  }
0x3e: {  	_ =	swait.ge [sflag:s21], $0x4000  }
0x3f: {  	p0 =	por p1, p1;
	[sflag:s21] =	ssyncset.done $0x0  }
0x40: {  	s30 =	simm.s32 $0x1580;
	s29 =	simm.s32 $0xFFFFBC00;
	[sflag:s21] =	ssyncadd.s32 $0xFFFFC000  }
.LBB2_3:
0x41: {  	[spmem:s2] =	stream.indirect.scatter.add.f32 [tilespmem:s17], [sflag:$0x4], $0x80, s30, s15, $0xb8;
	[tilespmem:$0x1E800] =	vst v63  }
0x42: {  	s30 =	smov.u32 s29  }
0x43: {  	p1 =	sne.s32 s29, $0xFFFFFC00;
	s29 =	sadd.s32 $0x400, s29;
	_ =	swait.ge [sflag:s23], $0x4000  }
0x44: {  	s30 =	sshra.s32 s30, $0x2;
	[sflag:s23] =	ssyncset.done $0x0  }
0x45: {  	s31 =	sadd.s32 $0x1380, s30;
	[sflag:s23] =	ssyncadd.s32 $0xFFFFC000  }
0x46: {  	[tilespmem:s17], [sflag:$0x2] =	stream.indirect.gather [hbm4b:s5+s15], $0x80, s31, s15, $0xb8;
	[tilespmem:$0x1E800] =	vst v63  }
0x47: {  	_ =	swait.ge [sflag:s18], $0x4000  }
0x48: {  	[sflag:s18] =	ssyncset.done $0x0  }
0x49: {  	s31 =	sadd.s32 $0x2700, s30;
	[sflag:s18] =	ssyncadd.s32 $0xFFFFC000  }
0x4a: {  	[spmem:s2] =	stream.indirect.scatter.add.f32 [tilespmem:s16], [sflag:$0x3], $0x80, s31, s15, $0xb8;
	[tilespmem:$0x1E800] =	vst v63  }
0x4b: {  	_ =	swait.ge [sflag:s19], $0x4000  }
0x4c: {  	[sflag:s19] =	ssyncset.done $0x0  }
.Ltmp0:
0x4d: {  	s31 =	sadd.s32 $0x1400, s30;
	[sflag:s19] =	ssyncadd.s32 $0xFFFFC000;
	(pc) =	sbr.rel @p1 .LBB2_3-.Ltmp0, $4  }
0x4e: {  	[tilespmem:s16], [sflag:$0x1] =	stream.indirect.gather [hbm4b:s5+s15], $0x80, s31, s15, $0xb8;
	[tilespmem:$0x1E800] =	vst v63  }
0x4f: {  	_ =	swait.ge [sflag:s21], $0x4000  }
0x50: {  	[sflag:s21] =	ssyncset.done $0x0  }
0x51: {  	s30 =	sadd.s32 $0x2780, s30;
	[sflag:s21] =	ssyncadd.s32 $0xFFFFC000  }
0x52: {  	[spmem:s2] =	stream.indirect.scatter.add.f32 [tilespmem:s17], [sflag:$0x4], $0x80, s30, s15, $0xb8;
	[tilespmem:$0x1E800] =	vst v63  }
0x53: {  	_ =	swait.ge [sflag:s23], $0x4000  }
0x54: {  	[sflag:s23] =	ssyncset.done $0x0  }
0x55: {  	[sflag:s23] =	ssyncadd.s32 $0xFFFFC000  }
0x56: {  	[tilespmem:s17], [sflag:$0x2] =	stream.indirect.gather [hbm4b:s5+s15], $0x80, s24, s15, $0xb8;
	[tilespmem:$0x1E800] =	vst v63  }
0x57: {  	_ =	swait.ge [sflag:s18], $0x4000  }
0x58: {  	[sflag:s18] =	ssyncset.done $0x0  }
0x59: {  	[sflag:s18] =	ssyncadd.s32 $0xFFFFC000  }
0x5a: {  	[spmem:s2] =	stream.indirect.scatter.add.f32 [tilespmem:s16], [sflag:$0x3], $0x80, s25, s15, $0xb8;
	[tilespmem:$0x1E800] =	vst v63  }
0x5b: {  	_ =	swait.ge [sflag:s19], $0x4000  }
0x5c: {  	[sflag:s19] =	ssyncset.done $0x0  }
0x5d: {  	[sflag:s19] =	ssyncadd.s32 $0xFFFFC000  }
0x5e: {  	_ =	swait.ge [sflag:s21], $0x4000  }
0x5f: {  	[sflag:s21] =	ssyncset.done $0x0  }
.Ltmp1:
0x60: {  	[sflag:s21] =	ssyncadd.s32 $0xFFFFC000;
	(pc) =	sbr.rel @p0 .LBB2_2-.Ltmp1, $4  }
0x61: {  	[spmem:s2] =	stream.indirect.scatter.add.f32 [tilespmem:s17], [sflag:$0x4], $0x80, s26, s15, $0xb8;
	[tilespmem:$0x1E800] =	vst v63  }
0x62: {  	_ =	swait.ge [sflag:s23], $0x4000  }
0x63: {  	[sflag:s23] =	ssyncset.done $0x0  }
0x64: {  	s29 =	simm.s32 $0x1400;
	p1 =	por $0x0, $0x0;
	[sflag:s23] =	ssyncadd.s32 $0xFFFFC000  }
0x65: {  	s28 =	sadd.s32 $0x1, s28  }
0x66: {  	p0 =	sne.s32 s28, s11  }
.Ltmp2:
0x67: {  	[bflag:$0x0] =	sbarrier.arrive $0xFFFF;
	(pc) =	sbr.rel @p0 .LBB2_1-.Ltmp2, $4  }
0x68: {  	[hbm:s10], [sflag:s8] =	dma.local [spmem:s12], $0x2800  }
0x69: {  	_ =	swait.ge [sflag:s13], $0x2800  }
0x6a: {  	[sflag:s13] =	ssyncset.done $0x0  }
0x6b: {  	[sflag:s13] =	ssyncadd.s32 $0xFFFFD800  }
0x6c: {  	_ =	sfence.sel $0x180000  }
0x6d: {  	[bflag:$0x0] =	sbarrier.arrive $0xFFFF  }
0x6e: {  	p0 =	sne.s32 s3, $0x0;
	_ =	strace $0x9000004D  }
0x6f: {  	s0 =	sadd.s32 @!p0 $0x100000, s0;
	[bflag:$0x2] =	sbarrier.arrive $0xFFFF  }
0x70: {  	[sflag:s0] =	ssyncadd.tile.s32 @!p0 $0x1;
	_ =	shalt  }
.Lfunc_end2:
_tile_overlayer_lowered:
.L_overlay_start_2:
0x71: {  	(tag) =	ssettag $0x2  }
0x72: {  	s0 =	rddreg [dreg:$0x0];
	s2 =	stileid.u32  }
0x73: {  	s1 =	rddreg [dreg:$0x1];
	p0 =	sne.s32 s2, $0x0  }
0x74: {  	s3 =	rddreg [dreg:$0x2];
	[bflag:$0x3] =	sbarrier.arrive $0xFFFF;
	s2 =	simm.s32 @!p0 $0x1C05  }
0x75: {  	[timem:s3], [sflag:s2] =	dma.local @!p0 [hbm:s0], s1  }
0x76: {  	s0 =	simm.s32 @!p0 $0x5  }
0x77: {  	_ =	swait.ge @!p0 [sflag:s0], s1  }
0x78: {  	s1 =	ssub.s32 @!p0 $0x0, s1;
	[sflag:s0] =	ssyncset.done @!p0 $0x0  }
0x79: {  	[sflag:s0] =	ssyncadd.s32 @!p0 s1  }
0x7a: {  	[bflag:$0x3] =	sbarrier.arrive $0xFFFF  }
0x7b: {  	_ =	shalt  }

// kernel: kernel.19.cloned.1.call-start
scs
__scs_entry_jumppad:
0x0: {  	(pc) =	sbr.rel $0x88, $3  }
0x1: {  	(tag) =	ssettag $0x0;
	lr =	simm.s32 $0x1  }
0x2: {  	[smem:$0x3F99] =	sst lr;
	_ =	strace $0xD0000000  }
0x3: {  	_ = 	snop  }
0x4: {  	_ = 	snop  }
0x5: {  	_ = 	snop  }
0x6: {  	_ = 	snop  }
0x7: {  	_ = 	snop  }
__scs_overlays_trampoline_lowered:
0x8: {  	[smem:$0x3FA8] =	sst s0  }
0x9: {  	[smem:$0x3FA9] =	sst s1  }
0xa: {  	[smem:$0x3FAA] =	sst s2  }
0xb: {  	[smem:$0x3FAB] =	sst s3  }
0xc: {  	[smem:$0x3FAC] =	sst s4  }
0xd: {  	[smem:$0x3FAD] =	sst s5  }
0xe: {  	[smem:$0x3FAE] =	sst s6  }
0xf: {  	[smem:$0x3FAF] =	sst s7  }
0x10: {  	[smem:$0x3FB0] =	sst s8  }
0x11: {  	[smem:$0x3FB1] =	sst s9;
	s0 =	simm.s32 @!p0 $0x0  }
0x12: {  	s1 =	sld [smem:$0x3F97];
	s0 =	simm.s32 @p0 $0x1  }
0x13: {  	[smem:$0x3FB2] =	sst s0;
	s0 =	simm.s32 @!p1 $0x0  }
0x14: {  	s2 =	sld [smem:$0x3F96];
	s0 =	simm.s32 @p1 $0x1  }
0x15: {  	[smem:$0x3FB3] =	sst s0;
	s0 =	simm.s32 @!p2 $0x0  }
0x16: {  	s3 =	sld [smem:$0x3FDB];
	s0 =	simm.s32 @p2 $0x1  }
0x17: {  	s4 =	simm.s32 $0x1BF5;
	[smem:$0x3FB5] =	sst s0  }
0x18: {  	s0 =	sld [smem:$0x3F98];
	_ =	swait.ge [sflag:s4], $0x0  }
0x19: {  	s7 =	sld [smem:$0x3F99]  }
0x1a: {  	s8 =	sadd.s32 $0xFFFFE003, lr  }
0x1b: {  	s9 =	sadd.s32 $0xFFFFFEF7, lr;
	s5 =	simm.s32 $0xFFFFFFFF;
	p2 =	slt.u32 s8, $0xFFFFF086  }
0x1c: {  	p1 =	slt.u32 s9, $0xF7A;
	s5 =	simm.s32 @!p2 $0x0  }
0x1d: {  	s5 =	simm.s32 @p1 $0x1;
	p0 =	seq.s32 s7, s2  }
0x1e: {  	s7 =	smul.u32 @!p0 $0xF7A, s2;
	p2 =	seq.s32 @!p0 s5, $0x0  }
0x1f: {  	s9 =	smul.u32 $0xF7A, s1;
	s8 =	simm.s32 @!p0 $0x1BF5;
	p2 =	por !p2, p0  }
0x20: {  	[sflag:s8] =	ssyncset.s32 @!p0 $0xFFFFF086;
	s6 =	sadd.s32 @!p0 s3, s7;
	s7 =	simm.s32 @!p0 $0x108  }
0x21: {  	s3 =	sadd.s32 s3, s9;
	s6 =	sadd.s32 @!p0 $0x88, s6;
	s7 =	simm.s32 @p2 $0x1082  }
0x22: {  	[simem:s7], [sflag:s8] =	dma.local @!p0 [hbm:s6], $0xF7A  }
0x23: {  	s9 =	sor.u32 $0xD0000000, s2;
	s6 =	simm.s32 $0x108;
	_ =	swait.ge @!p0 [sflag:s8], $0x0  }
0x24: {  	s3 =	sadd.s32 $0x88, s3;
	s6 =	simm.s32 @!p1 $0x1082;
	[sflag:s4] =	ssyncset.s32 $0xFFFFF086  }
0x25: {  	[simem:s6], [sflag:s4] =	dma.local [hbm:s3], $0xF7A  }
0x26: {  	[smem:$0x3F99] =	sst s1;
	(tag) =	ssettag s2;
	_ =	strace s9  }
0x27: {  	s1 =	sld [smem:$0x3FA9]  }
0x28: {  	s2 =	sld [smem:$0x3FAA]  }
0x29: {  	s4 =	sld [smem:$0x3FAC]  }
0x2a: {  	p0 =	seq.s32 s5, $0x0;
	s5 =	sld [smem:$0x3FAD]  }
0x2b: {  	s6 =	sld [smem:$0x3FAE]  }
0x2c: {  	s7 =	sld [smem:$0x3FAF]  }
0x2d: {  	s3 =	simm.s32 $0x108;
	s8 =	sld [smem:$0x3FB0]  }
0x2e: {  	s3 =	simm.s32 @!p0 $0x1082;
	s9 =	sld [smem:$0x3FB1]  }
0x2f: {  	lr =	sadd.s32 s0, s3;
	s0 =	sld [smem:$0x3FA8]  }
0x30: {  	s3 =	sld [smem:$0x3FAB]  }
0x31: {  	[smem:$0x3FB4] =	sst s10  }
0x32: {  	s10 =	sld [smem:$0x3FB2];
	_ =	sdelay $0x3  }
0x33: {  	p0 =	seq.s32 s10, $0x1;
	s10 =	sld [smem:$0x3FB4];
	_ =	sdelay $0x3  }
0x34: {  	[smem:$0x3FB4] =	sst s10  }
0x35: {  	s10 =	sld [smem:$0x3FB3];
	_ =	sdelay $0x3  }
0x36: {  	p1 =	seq.s32 s10, $0x1;
	s10 =	sld [smem:$0x3FB4];
	_ =	sdelay $0x3  }
0x37: {  	[smem:$0x3FB4] =	sst s10  }
0x38: {  	s10 =	sld [smem:$0x3FB5]  }
0x39: {  	_ = 	snop;
	(pc) =	sbr.ind lr, $3  }
0x3a: {  	_ = 	snop  }
0x3b: {  	_ = 	snop  }
0x3c: {  	p2 =	seq.s32 s10, $0x1;
	s10 =	sld [smem:$0x3FB4]  }
0x3d: {  	_ =	shalt  }
0x3e: {  	_ =	shalt  }
0x3f: {  	_ =	shalt  }
0x40: {  	_ =	shalt  }
0x41: {  	_ =	shalt  }
0x42: {  	_ =	shalt  }
0x43: {  	_ =	shalt  }
0x44: {  	_ =	shalt  }
0x45: {  	_ =	shalt  }
0x46: {  	_ =	shalt  }
0x47: {  	_ =	shalt  }
0x48: {  	_ =	shalt  }
0x49: {  	_ =	shalt  }
0x4a: {  	_ =	shalt  }
0x4b: {  	_ =	shalt  }
0x4c: {  	_ =	shalt  }
0x4d: {  	_ =	shalt  }
0x4e: {  	_ =	shalt  }
0x4f: {  	_ =	shalt  }
0x50: {  	_ =	shalt  }
0x51: {  	_ =	shalt  }
0x52: {  	_ =	shalt  }
0x53: {  	_ =	shalt  }
0x54: {  	_ =	shalt  }
0x55: {  	_ =	shalt  }
0x56: {  	_ =	shalt  }
0x57: {  	_ =	shalt  }
0x58: {  	_ =	shalt  }
0x59: {  	_ =	shalt  }
0x5a: {  	_ =	shalt  }
0x5b: {  	_ =	shalt  }
0x5c: {  	_ =	shalt  }
0x5d: {  	_ =	shalt  }
0x5e: {  	_ =	shalt  }
0x5f: {  	_ =	shalt  }
0x60: {  	_ =	shalt  }
0x61: {  	_ =	shalt  }
0x62: {  	_ =	shalt  }
0x63: {  	_ =	shalt  }
0x64: {  	_ =	shalt  }
0x65: {  	_ =	shalt  }
0x66: {  	_ =	shalt  }
0x67: {  	_ =	shalt  }
0x68: {  	_ =	shalt  }
0x69: {  	_ =	shalt  }
0x6a: {  	_ =	shalt  }
0x6b: {  	_ =	shalt  }
0x6c: {  	_ =	shalt  }
0x6d: {  	_ =	shalt  }
0x6e: {  	_ =	shalt  }
0x6f: {  	_ =	shalt  }
0x70: {  	_ =	shalt  }
0x71: {  	_ =	shalt  }
0x72: {  	_ =	shalt  }
0x73: {  	_ =	shalt  }
0x74: {  	_ =	shalt  }
0x75: {  	_ =	shalt  }
0x76: {  	_ =	shalt  }
0x77: {  	_ =	shalt  }
0x78: {  	_ =	shalt  }
0x79: {  	_ =	shalt  }
0x7a: {  	_ =	shalt  }
0x7b: {  	_ =	shalt  }
0x7c: {  	_ =	shalt  }
0x7d: {  	_ =	shalt  }
0x7e: {  	_ =	shalt  }
0x7f: {  	_ =	shalt  }
0x80: {  	_ =	shalt  }
0x81: {  	_ =	shalt  }
0x82: {  	_ =	shalt  }
0x83: {  	_ =	shalt  }
0x84: {  	_ =	shalt  }
0x85: {  	_ =	shalt  }
0x86: {  	_ =	shalt  }
0x87: {  	_ =	shalt  }
.Lfunc_end0:
.L_simem_size_0:
called_computation.3_lowered:
.L_overlay_start_0:
0x88: {  	s2 =	sld [smem:$0x3FD9]  }
0x89: {  	s3 =	sld [smem:$0x3FFE];
	_ =	sdelay $0x1  }
0x8a: {  	s1 =	srdreg.scid  }
0x8b: {  	s0 =	sand.u32 $0x1, s1  }
0x8c: {  	s17 =	sshll.u32 s0, $0xA;
	s2 =	sadd.s32 s3, s2  }
0x8d: {  	s2 =	sadd.s32 s2, s17  }
0x8e: {  	[smem:$0x3FC0] =	sst s2  }
0x8f: {  	_ = 	snop  }
0x90: {  	s2 =	sld [smem:$0x3FD0];
	(tm) =	ssettm $0x1  }
0x91: {  	s18 =	sld [smem:$0x3FFB];
	_ =	sdelay $0x3  }
0x92: {  	_ =	strace s18  }
0x93: {  	s3 =	sld [smem:$0x3FFC];
	_ =	sdelay $0x3  }
0x94: {  	_ =	strace s3  }
0x95: {  	s3 =	sld [smem:$0x3FFD];
	_ =	sdelay $0x3  }
0x96: {  	_ =	strace s3  }
0x97: {  	_ =	strace $0x8FFFFFFF  }
0x98: {  	s19 =	sld [smem:$0x3FDB];
	_ =	sdelay $0x1  }
0x99: {  	s4 =	simm.s32 $_scs_section_size  }
0x9a: {  	s5 =	simm.s32 $_size__tile_overlayer_lowered;
	s6 =	simm.s32 $_tile_overlayer_lowered  }
0x9b: {  	s22 =	simm.s32 $0x1BFF;
	s21 =	sshll.u32 s6, $0x1;
	s3 =	sadd.s32 s4, s19  }
0x9c: {  	s7 =	simm.s32 $0x0;
	s20 =	sshll.u32 s5, $0x1;
	s5 =	sadd.s32 s21, s3  }
0x9d: {  	[timem:s7], [sflag:s22] =	dma.local [hbm:s5], s20  }
0x9e: {  	_ =	swait.ge [sflag:s22], s20  }
0x9f: {  	s4 =	ssub.s32 $0x0, s20;
	[sflag:s22] =	ssyncset.done $0x0  }
0xa0: {  	[sflag:s22] =	ssyncadd.s32 s4;
	_ =	sdelay $0x1  }
0xa1: {  	s23 =	simm.s32 $0x1B8B  }
0xa2: {  	_ =	swait.ge [sflag:s23], $0x1  }
0xa3: {  	[sflag:s23] =	ssyncset.done $0x0  }
0xa4: {  	s25 =	simm.s32 $0x1B8E;
	s24 =	sld [smem:$0x3FFE];
	[sflag:s23] =	ssyncadd.s32 $0xFFFFFFFF  }
0xa5: {  	s26 =	simm.s32 $execute0_lowered;
	[smem:$0x3FD2] =	sst s25  }
0xa6: {  	s5 =	sshll.u32 s26, $0x1;
	_ =	strace $0x8000004F;
	[dreg:$0x1] =	wrdreg $0xFFFFFFFF  }
0xa7: {  	s28 =	simm.s32 $_size_execute0_lowered;
	s3 =	sadd.s32 s3, s5;
	[dreg:$0x0] =	wrdreg $0x0  }
0xa8: {  	s5 =	sshll.u32 s28, $0x1;
	[dreg:$0x2] =	wrdreg s3  }
0xa9: {  	[dreg:$0x3] =	wrdreg s5  }
0xaa: {  	[dreg:$0x4] =	wrdreg $0xC0  }
0xab: {  	_ =	task [dreg:s7], $0x5FFFF  }
0xac: {  	[dreg:$0x1] =	wrdreg $0xFFFFFFFF  }
0xad: {  	[dreg:$0x0] =	wrdreg $0x60  }
0xae: {  	[dreg:$0x2] =	wrdreg s24  }
0xaf: {  	[dreg:$0x3] =	wrdreg s2  }
0xb0: {  	[dreg:$0x4] =	wrdreg $0xA8000  }
0xb1: {  	[dreg:$0x5] =	wrdreg $0x9  }
0xb2: {  	_ =	task.clear_ibuf [dreg:s7], $0x6FFFF;
	_ =	strace $0x9000004F  }
0xb3: {  	s29 =	simm.s32 $0x9;
	_ =	strace $0x80000051  }
0xb4: {  	_ =	swait.ge [sflag:s29], $0x1  }
0xb5: {  	[sflag:s29] =	ssyncadd.s32 $0xFFFFFFFF  }
0xb6: {  	_ =	strace $0x90000051  }
0xb7: {  	_ =	sfence  }
0xb8: {  	s30 =	sld [smem:$0x0];
	_ =	sdelay $0x2  }
0xb9: {  	s31 =	sshll.u32 s1, $0xD;
	s1 =	sshrl.u32 s1, $0x2  }
0xba: {  	s3 =	sand.u32 $0x4000, s31;
	s1 =	sadd.s32 s1, s30  }
0xbb: {  	s0 =	sor.u32 s3, s0;
	s1 =	sshll.u32 s1, $0x11  }
0xbc: {  	s0 =	sor.u32 s1, s0  }
0xbd: {  	s0 =	sadd.s32 $0x8F2B, s0  }
0xbe: {  	[sflag:s0] =	ssyncadd.remote.s32 $0x1  }
0xbf: {  	_ =	sfence.sel $0xFFFF  }
0xc0: {  	[dreg:$0x0] =	wrdreg $0xFFFFFFFF;
	(pc) =	sbr.abs _section_cstart, $3  }
0xc1: {  	[dreg:$0x1] =	wrdreg $0xFFFFFFFF  }
0xc2: {  	_ =	task.clear_ibuf [dreg:s7], $0x2FFFF;
	_ =	strace $0x9FFFFFFF  }
0xc3: {  	(tm) =	ssettm $0x7FFFFFFF  }
tec
execute0_lowered:
.L_overlay_start_1:
0x0: {  	(tag) =	ssettag $0x1  }
0x1: {  	s8 =	rddreg [dreg:$0x0]  }
0x2: {  	s1 =	rddreg [dreg:$0x1]  }
0x3: {  	s2 =	rddreg [dreg:$0x2]  }
0x4: {  	s3 =	srdreg.scid;
	s0 =	rddreg [dreg:$0x3]  }
0x5: {  	s4 =	simm.s32 $0x0;
	s14 =	simm.s32 $0x1400;
	s15 =	simm.s32 $0x80  }
0x6: {  	s16 =	simm.s32 $0x2800;
	s17 =	simm.s32 $0x6800;
	s18 =	simm.s32 $0x1  }
0x7: {  	s19 =	simm.s32 $0x3;
	s20 =	simm.s32 $0x100;
	s21 =	simm.s32 $0x2  }
0x8: {  	s22 =	simm.s32 $0x1480;
	s23 =	simm.s32 $0x4;
	s24 =	simm.s32 $0x1380  }
0x9: {  	s25 =	simm.s32 $0x2700;
	s28 =	simm.s32 $0x0;
	s9 =	sand.u32 $0x1, s3  }
0xa: {  	s3 =	stileid.u32;
	[smem:$0x7FF] =	sst s4;
	s5 =	sadd.s32 $0x21400, s8  }
0xb: {  	s6 =	sadd.s32 $0x17400, s8;
	s7 =	sadd.s32 $0x3400, s8;
	s10 =	smul.u32 $0x140000, s9  }
0xc: {  	s11 =	smul.u32 $0x14000, s3;
	_ =	strace $0x80000050;
	s26 =	ssub.s32 $0x2, s9  }
0xd: {  	s13 =	smul.u32 $0x50000, s3;
	s29 =	sshll.u32 s3, $0x1;
	s31 =	sshll.u32 s3, $0x6  }
0xe: {  	s12 =	sshrl.u32 s26, $0x1;
	s9 =	sor.u32 s9, s29;
	s10 =	sadd.s32 s11, s10  }
0xf: {  	s11 =	ssub.s32 s26, s12;
	s30 =	sshrl.u32 s13, $0x2;
	s9 =	smul.u32 $0x2800, s9  }
0x10: {  	s26 =	simm.s32 $0x2780;
	s10 =	sshrl.u32 s10, $0x3;
	s13 =	sadd.s32 s30, s2  }
0x11: {  	s11 =	smax.u32 s11, $0x1;
	s10 =	sadd.s32 s10, s8;
	s8 =	sor.u32 $0x1C05, s31  }
0x12: {  	s12 =	sshrl.u32 s13, $0x3;
	s13 =	simm.s32 $0x5;
	s10 =	sadd.s32 $0x49400, s10  }
.LBB2_1:
0x13: {  	[spmem:s12], [sflag:s8] =	dma.local [hbm:s1], $0x2800  }
0x14: {  	_ =	swait.ge [sflag:s13], $0x2800  }
0x15: {  	[sflag:s13] =	ssyncset.done $0x0  }
0x16: {  	[sflag:s13] =	ssyncadd.s32 $0xFFFFD800  }
0x17: {  	p1 =	por $0x1, $0x1;
	s29 =	simm.s32 $0x0;
	[bflag:$0x0] =	sbarrier.arrive $0xFFFF  }
.LBB2_2:
0x18: {  	s29 =	sadd.s32 s9, s29  }
0x19: {  	s29 =	sshrl.u32 s29, $0x3  }
0x1a: {  	s30 =	sadd.s32 s6, s29  }
0x1b: {  	[tilespmem:s4], [sflag:$0x5] =	stream.linear.gather [hbm4b:s30+s4], $0x1400, $0x38;
	[tilespmem:$0x1E800] =	vst v63  }
0x1c: {  	_ =	swait.ge [sflag:s13], $0x1400  }
0x1d: {  	[sflag:s13] =	ssyncset.done $0x0  }
0x1e: {  	s29 =	sadd.s32 s7, s29;
	[sflag:s13] =	ssyncadd.s32 $0xFFFFEC00  }
0x1f: {  	[tilespmem:s14], [sflag:$0x5] =	stream.linear.gather [hbm4b:s29+s4], $0x1400, $0x38;
	[tilespmem:$0x1E800] =	vst v63  }
0x20: {  	_ =	swait.ge [sflag:s13], $0x1400  }
0x21: {  	[sflag:s13] =	ssyncset.done $0x0  }
0x22: {  	[sflag:s13] =	ssyncadd.s32 $0xFFFFEC00  }
0x23: {  	[tilespmem:s16], [sflag:$0x1] =	stream.indirect.gather [hbm4b:s5+s15], $0x80, s4, s15, $0xb8;
	[tilespmem:$0x1E800] =	vst v63  }
0x24: {  	_ = 	snop  }
0x25: {  	[tilespmem:s17], [sflag:$0x2] =	stream.indirect.gather [hbm4b:s5+s15], $0x80, s15, s15, $0xb8;
	[tilespmem:$0x1E800] =	vst v63  }
0x26: {  	_ =	swait.ge [sflag:s18], $0x4000  }
0x27: {  	[sflag:s18] =	ssyncset.done $0x0  }
0x28: {  	[sflag:s18] =	ssyncadd.s32 $0xFFFFC000  }
0x29: {  	[spmem:s2] =	stream.indirect.scatter.add.f32 [tilespmem:s16], [sflag:$0x3], $0x80, s14, s15, $0xb8;
	[tilespmem:$0x1E800] =	vst v63  }
0x2a: {  	_ =	swait.ge [sflag:s19], $0x4000  }
0x2b: {  	[sflag:s19] =	ssyncset.done $0x0  }
0x2c: {  	[sflag:s19] =	ssyncadd.s32 $0xFFFFC000  }
0x2d: {  	[tilespmem:s16], [sflag:$0x1] =	stream.indirect.gather [hbm4b:s5+s15], $0x80, s20, s15, $0xb8;
	[tilespmem:$0x1E800] =	vst v63  }
0x2e: {  	_ =	swait.ge [sflag:s21], $0x4000  }
0x2f: {  	[sflag:s21] =	ssyncset.done $0x0  }
0x30: {  	[sflag:s21] =	ssyncadd.s32 $0xFFFFC000  }
0x31: {  	[spmem:s2] =	stream.indirect.scatter.add.f32 [tilespmem:s17], [sflag:$0x4], $0x80, s22, s15, $0xb8;
	[tilespmem:$0x1E800] =	vst v63  }
0x32: {  	_ =	swait.ge [sflag:s23], $0x4000  }
0x33: {  	[sflag:s23] =	ssyncset.done $0x0  }
0x34: {  	s29 =	simm.s32 $0x180;
	[sflag:s23] =	ssyncadd.s32 $0xFFFFC000  }
0x35: {  	[tilespmem:s17], [sflag:$0x2] =	stream.indirect.gather [hbm4b:s5+s15], $0x80, s29, s15, $0xb8;
	[tilespmem:$0x1E800] =	vst v63  }
0x36: {  	_ =	swait.ge [sflag:s18], $0x4000  }
0x37: {  	[sflag:s18] =	ssyncset.done $0x0  }
0x38: {  	s29 =	simm.s32 $0x1500;
	[sflag:s18] =	ssyncadd.s32 $0xFFFFC000  }
0x39: {  	[spmem:s2] =	stream.indirect.scatter.add.f32 [tilespmem:s16], [sflag:$0x3], $0x80, s29, s15, $0xb8;
	[tilespmem:$0x1E800] =	vst v63  }
0x3a: {  	_ =	swait.ge [sflag:s19], $0x4000  }
0x3b: {  	[sflag:s19] =	ssyncset.done $0x0  }
0x3c: {  	s29 =	simm.s32 $0x200;
	[sflag:s19] =	ssyncadd.s32 $0xFFFFC000  }
0x3d: {  	[tilespmem:s16], [sflag:$0x1] =	stream.indirect.gather [hbm4b:s5+s15], $0x80, s29, s15, $0xb8;
	[tilespmem:$0x1E800] =	vst v63  }
0x3e: {  	_ =	swait.ge [sflag:s21], $0x4000  }
0x3f: {  	p0 =	por p1, p1;
	[sflag:s21] =	ssyncset.done $0x0  }
0x40: {  	s30 =	simm.s32 $0x1580;
	s29 =	simm.s32 $0xFFFFBC00;
	[sflag:s21] =	ssyncadd.s32 $0xFFFFC000  }
.LBB2_3:
0x41: {  	[spmem:s2] =	stream.indirect.scatter.add.f32 [tilespmem:s17], [sflag:$0x4], $0x80, s30, s15, $0xb8;
	[tilespmem:$0x1E800] =	vst v63  }
0x42: {  	s30 =	smov.u32 s29  }
0x43: {  	p1 =	sne.s32 s29, $0xFFFFFC00;
	s29 =	sadd.s32 $0x400, s29;
	_ =	swait.ge [sflag:s23], $0x4000  }
0x44: {  	s30 =	sshra.s32 s30, $0x2;
	[sflag:s23] =	ssyncset.done $0x0  }
0x45: {  	s31 =	sadd.s32 $0x1380, s30;
	[sflag:s23] =	ssyncadd.s32 $0xFFFFC000  }
0x46: {  	[tilespmem:s17], [sflag:$0x2] =	stream.indirect.gather [hbm4b:s5+s15], $0x80, s31, s15, $0xb8;
	[tilespmem:$0x1E800] =	vst v63  }
0x47: {  	_ =	swait.ge [sflag:s18], $0x4000  }
0x48: {  	[sflag:s18] =	ssyncset.done $0x0  }
0x49: {  	s31 =	sadd.s32 $0x2700, s30;
	[sflag:s18] =	ssyncadd.s32 $0xFFFFC000  }
0x4a: {  	[spmem:s2] =	stream.indirect.scatter.add.f32 [tilespmem:s16], [sflag:$0x3], $0x80, s31, s15, $0xb8;
	[tilespmem:$0x1E800] =	vst v63  }
0x4b: {  	_ =	swait.ge [sflag:s19], $0x4000  }
0x4c: {  	[sflag:s19] =	ssyncset.done $0x0  }
.Ltmp0:
0x4d: {  	s31 =	sadd.s32 $0x1400, s30;
	[sflag:s19] =	ssyncadd.s32 $0xFFFFC000;
	(pc) =	sbr.rel @p1 .LBB2_3-.Ltmp0, $4  }
0x4e: {  	[tilespmem:s16], [sflag:$0x1] =	stream.indirect.gather [hbm4b:s5+s15], $0x80, s31, s15, $0xb8;
	[tilespmem:$0x1E800] =	vst v63  }
0x4f: {  	_ =	swait.ge [sflag:s21], $0x4000  }
0x50: {  	[sflag:s21] =	ssyncset.done $0x0  }
0x51: {  	s30 =	sadd.s32 $0x2780, s30;
	[sflag:s21] =	ssyncadd.s32 $0xFFFFC000  }
0x52: {  	[spmem:s2] =	stream.indirect.scatter.add.f32 [tilespmem:s17], [sflag:$0x4], $0x80, s30, s15, $0xb8;
	[tilespmem:$0x1E800] =	vst v63  }
0x53: {  	_ =	swait.ge [sflag:s23], $0x4000  }
0x54: {  	[sflag:s23] =	ssyncset.done $0x0  }
0x55: {  	[sflag:s23] =	ssyncadd.s32 $0xFFFFC000  }
0x56: {  	[tilespmem:s17], [sflag:$0x2] =	stream.indirect.gather [hbm4b:s5+s15], $0x80, s24, s15, $0xb8;
	[tilespmem:$0x1E800] =	vst v63  }
0x57: {  	_ =	swait.ge [sflag:s18], $0x4000  }
0x58: {  	[sflag:s18] =	ssyncset.done $0x0  }
0x59: {  	[sflag:s18] =	ssyncadd.s32 $0xFFFFC000  }
0x5a: {  	[spmem:s2] =	stream.indirect.scatter.add.f32 [tilespmem:s16], [sflag:$0x3], $0x80, s25, s15, $0xb8;
	[tilespmem:$0x1E800] =	vst v63  }
0x5b: {  	_ =	swait.ge [sflag:s19], $0x4000  }
0x5c: {  	[sflag:s19] =	ssyncset.done $0x0  }
0x5d: {  	[sflag:s19] =	ssyncadd.s32 $0xFFFFC000  }
0x5e: {  	_ =	swait.ge [sflag:s21], $0x4000  }
0x5f: {  	[sflag:s21] =	ssyncset.done $0x0  }
.Ltmp1:
0x60: {  	[sflag:s21] =	ssyncadd.s32 $0xFFFFC000;
	(pc) =	sbr.rel @p0 .LBB2_2-.Ltmp1, $4  }
0x61: {  	[spmem:s2] =	stream.indirect.scatter.add.f32 [tilespmem:s17], [sflag:$0x4], $0x80, s26, s15, $0xb8;
	[tilespmem:$0x1E800] =	vst v63  }
0x62: {  	_ =	swait.ge [sflag:s23], $0x4000  }
0x63: {  	[sflag:s23] =	ssyncset.done $0x0  }
0x64: {  	s29 =	simm.s32 $0x1400;
	p1 =	por $0x0, $0x0;
	[sflag:s23] =	ssyncadd.s32 $0xFFFFC000  }
0x65: {  	s28 =	sadd.s32 $0x1, s28  }
0x66: {  	p0 =	sne.s32 s28, s11  }
.Ltmp2:
0x67: {  	[bflag:$0x0] =	sbarrier.arrive $0xFFFF;
	(pc) =	sbr.rel @p0 .LBB2_1-.Ltmp2, $4  }
0x68: {  	[hbm:s10], [sflag:s8] =	dma.local [spmem:s12], $0x2800  }
0x69: {  	_ =	swait.ge [sflag:s13], $0x2800  }
0x6a: {  	[sflag:s13] =	ssyncset.done $0x0  }
0x6b: {  	[sflag:s13] =	ssyncadd.s32 $0xFFFFD800  }
0x6c: {  	_ =	sfence.sel $0x180000  }
0x6d: {  	[bflag:$0x0] =	sbarrier.arrive $0xFFFF  }
0x6e: {  	p0 =	sne.s32 s3, $0x0;
	_ =	strace $0x90000050  }
0x6f: {  	s0 =	sadd.s32 @!p0 $0x100000, s0;
	[bflag:$0x2] =	sbarrier.arrive $0xFFFF  }
0x70: {  	[sflag:s0] =	ssyncadd.tile.s32 @!p0 $0x1;
	_ =	shalt  }
.Lfunc_end2:
_tile_overlayer_lowered:
.L_overlay_start_2:
0x71: {  	(tag) =	ssettag $0x2  }
0x72: {  	s0 =	rddreg [dreg:$0x0];
	s2 =	stileid.u32  }
0x73: {  	s1 =	rddreg [dreg:$0x1];
	p0 =	sne.s32 s2, $0x0  }
0x74: {  	s3 =	rddreg [dreg:$0x2];
	[bflag:$0x3] =	sbarrier.arrive $0xFFFF;
	s2 =	simm.s32 @!p0 $0x1C05  }
0x75: {  	[timem:s3], [sflag:s2] =	dma.local @!p0 [hbm:s0], s1  }
0x76: {  	s0 =	simm.s32 @!p0 $0x5  }
0x77: {  	_ =	swait.ge @!p0 [sflag:s0], s1  }
0x78: {  	s1 =	ssub.s32 @!p0 $0x0, s1;
	[sflag:s0] =	ssyncset.done @!p0 $0x0  }
0x79: {  	[sflag:s0] =	ssyncadd.s32 @!p0 s1  }
0x7a: {  	[bflag:$0x3] =	sbarrier.arrive $0xFFFF  }
0x7b: {  	_ =	shalt  }

</sc_bundles>
